<compile_context>
chip_gen: v7x
topology: tpu7x:2x2x1
jax: 0.10.2.dev20260603
libtpu: 0.0.44.dev20260713+nightly
codegen_flags: <defaults>
</compile_context>

<pallas_src>
import functools
import math

import jax
import jax.numpy as jnp
from jax import lax
from jax.experimental import pallas as pl
from jax.experimental.pallas import tpu as pltpu, tpu_sc as plsc

D_MODEL = 64
SCALE = math.sqrt(D_MODEL)
L = 16


def _mesh_info():
    info = plsc.get_sparse_core_info()
    mesh = plsc.VectorSubcoreMesh(core_axis_name="c", subcore_axis_name="s")
    return info, mesh, info.num_cores * info.num_subcores


@functools.partial(jax.jit, static_argnames=("rows",))
def _pack(table, rows=200):
    V, D = table.shape
    info, mesh, nw = _mesh_info()
    n_chunks = V // rows
    assert rows % 8 == 0 and V % rows == 0

    @functools.partial(
        pl.kernel,
        mesh=mesh,
        out_type=jax.ShapeDtypeStruct((V, 2 * D), jnp.float32),
        scratch_types=[
            pltpu.VMEM((2, rows, D), jnp.float32),
            pltpu.VMEM((2, rows, 2 * D), jnp.float32),
            pltpu.SemaphoreType.DMA((2,)),
            pltpu.SemaphoreType.DMA((2,)),
        ],
    )
    def k(table_hbm, t2_hbm, ibuf, obuf, in_sem, out_sem):
        wid = lax.axis_index("s") * info.num_cores + lax.axis_index("c")
        my_n = (n_chunks - wid + nw - 1) // nw

        def chunk_of(s):
            return s * nw + wid

        def read(s, b):
            pltpu.async_copy(
                table_hbm.at[pl.ds(chunk_of(s) * rows, rows), :],
                ibuf.at[b],
                in_sem.at[b],
            )

        def wait_read(b):
            pltpu.make_async_copy(
                table_hbm.at[pl.ds(0, rows), :], ibuf.at[b], in_sem.at[b]
            ).wait()

        def write(s, b):
            pltpu.async_copy(
                obuf.at[b],
                t2_hbm.at[pl.ds(chunk_of(s) * rows, rows), :],
                out_sem.at[b],
            )

        def wait_write(b):
            pltpu.make_async_copy(
                obuf.at[b],
                t2_hbm.at[pl.ds(0, rows), :],
                out_sem.at[b],
            ).wait()

        @pl.when(my_n >= 1)
        def _():
            read(0, 0)

        def pair(i, _):
            for b in range(2):
                s = 2 * i + b

                @pl.when(s < my_n)
                def _():
                    wait_read(b)

                    @pl.when(s + 1 < my_n)
                    def _():
                        read(s + 1, 1 - b)

                    @pl.when(s >= 2)
                    def _():
                        wait_write(b)

                    def scale_row(r, _):
                        for j in range(D // L):
                            sl = pl.ds(j * L, L)
                            obuf[b, r, sl] = ibuf[b, r, sl] * SCALE
                        return 0

                    lax.fori_loop(0, rows, scale_row, 0, unroll=4)
                    write(s, b)

            return 0

        lax.fori_loop(0, (n_chunks // nw + 2) // 2, pair, 0)

        @pl.when(my_n >= 1)
        def _():
            wait_write(0)

        @pl.when(my_n >= 2)
        def _():
            wait_write(1)

    return k(table)


@functools.partial(jax.jit, static_argnames=("chunk",))
def _gather(t2, x, chunk=160):
    B0, B1 = x.shape
    B = B0 * B1
    V, D2 = t2.shape
    D = D2 // 2
    info, mesh, nw = _mesh_info()
    assert B % (nw * chunk) == 0
    b_per_w = B // nw
    xrows_per_w = B0 // nw
    n_chunks = b_per_w // chunk
    assert n_chunks % 2 == 0
    XB = 16
    assert xrows_per_w % XB == 0

    @functools.partial(
        pl.kernel,
        mesh=mesh,
        out_type=jax.ShapeDtypeStruct((B, D), jnp.float32),
        scratch_types=[
            pltpu.VMEM((b_per_w,), jnp.int32),
            pltpu.VMEM((XB, B1), jnp.int32),
            pltpu.VMEM((2, chunk, D2), jnp.float32),
            pltpu.VMEM((2, chunk, D), jnp.float32),
            pltpu.SemaphoreType.DMA((2,)),
            pltpu.SemaphoreType.DMA((2,)),
        ],
    )
    def k(t2_hbm, x_hbm, out_hbm, idx_v, xbuf, rows_v, cbuf, gsem, ssem):
        wid = lax.axis_index("s") * info.num_cores + lax.axis_index("c")
        base = wid * b_per_w

        offs = [j * L for j in range(B1 // L)] + [B1 - L]

        def xblock(blk, _):
            pltpu.sync_copy(
                x_hbm.at[pl.ds(wid * xrows_per_w + blk * XB, XB), :], xbuf
            )
            for r in range(XB):
                dst = blk * XB * B1 + r * B1
                for off in offs:
                    idx_v[pl.ds(dst + off, L)] = xbuf[r, pl.ds(off, L)]
            return 0

        lax.fori_loop(0, xrows_per_w // XB, xblock, 0)

        def gather(g, b):
            pltpu.async_copy(
                t2_hbm.at[idx_v.at[pl.ds(g * chunk, chunk)]],
                rows_v.at[b],
                gsem.at[b],
            )

        def wait_gather(b):
            pltpu.make_async_copy(
                t2_hbm.at[idx_v.at[pl.ds(0, chunk)]], rows_v.at[b], gsem.at[b]
            ).wait()

        def scatter(g, b):
            pltpu.async_copy(
                cbuf.at[b],
                out_hbm.at[pl.ds(base + g * chunk, chunk)],
                ssem.at[b],
            )

        def wait_scatter(b):
            pltpu.make_async_copy(
                cbuf.at[b],
                out_hbm.at[pl.ds(base, chunk)],
                ssem.at[b],
            ).wait()

        gather(0, 0)

        def pair(i, _):
            for b in range(2):
                g = 2 * i + b
                bn = 1 - b
                wait_gather(b)

                @pl.when(g + 1 < n_chunks)
                def _():
                    gather(g + 1, bn)

                @pl.when(g >= 2)
                def _():
                    wait_scatter(b)

                def compact_row(r, _):
                    for j in range(D // L):
                        sl = pl.ds(j * L, L)
                        cbuf[b, r, sl] = rows_v[b, r, sl]
                    return 0

                lax.fori_loop(0, chunk, compact_row, 0, unroll=4)
                scatter(g, b)
            return 0

        lax.fori_loop(0, n_chunks // 2, pair, 0)
        wait_scatter((n_chunks - 2) % 2)
        wait_scatter((n_chunks - 1) % 2)

    return k(t2, x)


def kernel(x, table):
    B0, B1 = x.shape
    t2 = _pack(table)
    out = _gather(t2, x.astype(jnp.int32))
    return out.reshape(B0, B1, D_MODEL)

# --- scband reference (transcript-rebuilt; emitter-appended) ---
"""Pipeline reference for scband-embeddings-30116310680185 (READ-ONLY COPY).

The authoritative reference and input builder live on the scoring server;
editing this copy changes nothing except your own understanding.
"""

import jax, jax.numpy as jnp
import numpy as np
import math

D_MODEL = 64
VOCAB_SIZE = 1000000

def setup_inputs(seed: int = 0) -> dict:
    key = jax.random.key(seed)
    k_idx, k_tab = jax.random.split(key)
    x = jax.random.randint(k_idx, (4096, 200), 0, VOCAB_SIZE, dtype=jnp.int64 if jax.config.jax_enable_x64 else jnp.int32)
    table = jax.random.normal(k_tab, (VOCAB_SIZE, D_MODEL), dtype=jnp.float32)
    return {"x": x, "table": table}

def reference(x, table):
    # Embeddings.forward: embedding(x) * sqrt(d_model)
    idx = x.astype(jnp.int32)
    emb = jnp.take(table, idx, axis=0)
    return emb * math.sqrt(D_MODEL)

if __name__ == "__main__":
    import jax
    _d = setup_inputs()
    print(jax.jit(kernel)(*tuple(_d.values())))

</pallas_src>

<mosaic_0001>
#map = affine_map<(d0, d1) -> (0, 0)>
module attributes {stable_mosaic.version = 14 : i64} {
  func.func @k(%arg0: i32, %arg1: i32, %arg2: memref<1000000x64xf32, #tpu.memory_space<hbm>>, %arg3: memref<1000000x128xf32, #tpu.memory_space<hbm>>, %arg4: memref<2x200x64xf32, #tpu.memory_space<vmem>>, %arg5: memref<2x200x128xf32, #tpu.memory_space<vmem>>, %arg6: memref<2x!tpu.dma_semaphore, #tpu.memory_space<semaphore_mem>>, %arg7: memref<2x!tpu.dma_semaphore, #tpu.memory_space<semaphore_mem>>) attributes {dimension_semantics = [#tpu.dimension_semantics<core_parallel>, #tpu.dimension_semantics<subcore_parallel>], iteration_bounds = array<i64: 2, 16>, scalar_prefetch = 0 : i64, scratch_operands = 4 : i64, tpu.core_type = #tpu.core_type<sc_vector_subcore>, window_params = [{transform_indices = #map}, {transform_indices = #map}]} {
    %mul3A = arith.constant 2 : i32
    %mul3A_0 = arith.muli %arg1, %mul3A : i32
    %add3A = arith.addi %mul3A_0, %arg0 : i32
    %sub3A = arith.constant 5000 : i32
    %sub3A_1 = arith.subi %sub3A, %add3A : i32
    %add3A_2 = arith.constant 32 : i32
    %add3A_3 = arith.addi %sub3A_1, %add3A_2 : i32
    %sub3A_4 = arith.constant 1 : i32
    %sub3A_5 = arith.subi %add3A_3, %sub3A_4 : i32
    %jit3A = arith.constant 32 : i32
    %div3A = arith.divsi %sub3A_5, %jit3A : i32
    %sign3A = arith.constant 0 : i32
    %sign3A_6 = arith.cmpi sgt, %sub3A_5, %sign3A : i32
    %sign3A_7 = arith.extui %sign3A_6 : i1 to i32
    %sign3A_8 = arith.constant 0 : i32
    %sign3A_9 = arith.cmpi slt, %sub3A_5, %sign3A_8 : i32
    %sign3A_10 = arith.extui %sign3A_9 : i1 to i32
    %sign3A_11 = arith.subi %sign3A_7, %sign3A_10 : i32
    %sign3A_12 = arith.constant 0 : i32
    %sign3A_13 = arith.cmpi sgt, %jit3A, %sign3A_12 : i32
    %sign3A_14 = arith.extui %sign3A_13 : i1 to i32
    %sign3A_15 = arith.constant 0 : i32
    %sign3A_16 = arith.cmpi slt, %jit3A, %sign3A_15 : i32
    %sign3A_17 = arith.extui %sign3A_16 : i1 to i32
    %sign3A_18 = arith.subi %sign3A_14, %sign3A_17 : i32
    %ne3A = arith.cmpi ne, %sign3A_11, %sign3A_18 : i32
    %rem3A = arith.remsi %sub3A_5, %jit3A : i32
    %ne3A_19 = arith.constant 0 : i32
    %ne3A_20 = arith.cmpi ne, %rem3A, %ne3A_19 : i32
    %and3A = arith.andi %ne3A, %ne3A_20 : i1
    %sub3A_21 = arith.constant 1 : i32
    %sub3A_22 = arith.subi %div3A, %sub3A_21 : i32
    %select_n3A = arith.select %and3A, %sub3A_22, %div3A : i32
    %ge3A = arith.constant 1 : i32
    %ge3A_23 = arith.cmpi sge, %select_n3A, %ge3A : i32
    %convert_element_type3A = arith.extui %ge3A_23 : i1 to i32
    %cond3A = arith.constant 0 : i32
    %cond3A_24 = arith.cmpi ne, %convert_element_type3A, %cond3A : i32
    scf.if %cond3A_24 {
      %add3A_41 = arith.constant 0 : i32
      %add3A_42 = arith.addi %add3A_41, %add3A : i32
      %mul3A_43 = arith.constant 200 : i32
      %mul3A_44 = arith.muli %add3A_42, %mul3A_43 : i32
      %dma_start3A = arith.constant 0 : i32
      %dma_start3A_45 = arith.constant 0 : i32
      %dma_start3A_46 = arith.constant 0 : i32
      %dma_start3A_47 = arith.constant 0 : i32
      %dma_start3A_48 = tpu.memref_slice %arg4[%dma_start3A, %dma_start3A_46, %dma_start3A_47] : memref<2x200x64xf32, #tpu.memory_space<vmem>> -> memref<1x200x64xf32, #tpu.memory_space<vmem>>
      %dma_start3A_49 = tpu.memref_squeeze %dma_start3A_48 : memref<1x200x64xf32, #tpu.memory_space<vmem>> -> memref<200x64xf32, #tpu.memory_space<vmem>>
      %dma_start3A_50 = arith.constant 0 : i32
      %dma_start3A_51 = tpu.memref_slice %arg2[%mul3A_44, %dma_start3A_50] : memref<1000000x64xf32, #tpu.memory_space<hbm>> -> memref<200x64xf32, #tpu.memory_space<hbm>>
      %dma_start3A_52 = tpu.memref_slice %arg6[%dma_start3A_45] : memref<2x!tpu.dma_semaphore, #tpu.memory_space<semaphore_mem>> -> memref<1x!tpu.dma_semaphore, #tpu.memory_space<semaphore_mem>>
      %dma_start3A_53 = tpu.memref_squeeze %dma_start3A_52 : memref<1x!tpu.dma_semaphore, #tpu.memory_space<semaphore_mem>> -> memref<!tpu.dma_semaphore, #tpu.memory_space<semaphore_mem>>
      %dma_start3A_54 = arith.constant 0 : i32
      %dma_start3A_55 = arith.constant 0 : i32
      %dma_start3A_56 = tpu.memref_slice %arg4[%dma_start3A, %dma_start3A_54, %dma_start3A_55] : memref<2x200x64xf32, #tpu.memory_space<vmem>> -> memref<1x200x64xf32, #tpu.memory_space<vmem>>
      %dma_start3A_57 = tpu.memref_squeeze %dma_start3A_56 : memref<1x200x64xf32, #tpu.memory_space<vmem>> -> memref<200x64xf32, #tpu.memory_space<vmem>>
      %dma_start3A_58 = arith.constant 0 : i32
      %dma_start3A_59 = tpu.memref_slice %arg2[%mul3A_44, %dma_start3A_58] : memref<1000000x64xf32, #tpu.memory_space<hbm>> -> memref<200x64xf32, #tpu.memory_space<hbm>>
      tpu.enqueue_dma source(%dma_start3A_59 : memref<200x64xf32, #tpu.memory_space<hbm>>) target(%dma_start3A_57 : memref<200x64xf32, #tpu.memory_space<vmem>>) target_semaphore(%dma_start3A_53 : memref<!tpu.dma_semaphore, #tpu.memory_space<semaphore_mem>>)
    } else {
    }
    %scan3A = arith.constant 0 : i32
    %scan3A_25 = arith.constant 0 : i32
    %scan3A_26 = arith.constant 79 : i32
    %scan3A_27 = arith.addi %scan3A_25, %scan3A_26 : i32
    %scan3A_28 = arith.constant 1 : i32
    %scan3A_29 = scf.for %scan3A_41 = %scan3A_25 to %scan3A_27 step %scan3A_28 iter_args(%scan3A_42 = %scan3A) -> (i32)  : i32 {
      %mul3A_43 = arith.constant 2 : i32
      %mul3A_44 = arith.muli %mul3A_43, %scan3A_41 : i32
      %add3A_45 = arith.constant 0 : i32
      %add3A_46 = arith.addi %mul3A_44, %add3A_45 : i32
      %lt3A = arith.cmpi slt, %add3A_46, %select_n3A : i32
      %convert_element_type3A_47 = arith.extui %lt3A : i1 to i32
      %cond3A_48 = arith.constant 0 : i32
      %cond3A_49 = arith.cmpi ne, %convert_element_type3A_47, %cond3A_48 : i32
      scf.if %cond3A_49 {
        %dma_wait3A = arith.constant 0 : i32
        %dma_wait3A_59 = arith.constant 0 : i32
        %dma_wait3A_60 = arith.constant 0 : i32
        %dma_wait3A_61 = arith.constant 0 : i32
        %dma_wait3A_62 = tpu.memref_slice %arg4[%dma_wait3A, %dma_wait3A_60, %dma_wait3A_61] : memref<2x200x64xf32, #tpu.memory_space<vmem>> -> memref<1x200x64xf32, #tpu.memory_space<vmem>>
        %dma_wait3A_63 = tpu.memref_squeeze %dma_wait3A_62 : memref<1x200x64xf32, #tpu.memory_space<vmem>> -> memref<200x64xf32, #tpu.memory_space<vmem>>
        %dma_wait3A_64 = arith.constant 0 : i32
        %dma_wait3A_65 = arith.constant 0 : i32
        %dma_wait3A_66 = tpu.memref_slice %arg2[%dma_wait3A_64, %dma_wait3A_65] : memref<1000000x64xf32, #tpu.memory_space<hbm>> -> memref<200x64xf32, #tpu.memory_space<hbm>>
        %dma_wait3A_67 = tpu.memref_slice %arg6[%dma_wait3A_59] : memref<2x!tpu.dma_semaphore, #tpu.memory_space<semaphore_mem>> -> memref<1x!tpu.dma_semaphore, #tpu.memory_space<semaphore_mem>>
        %dma_wait3A_68 = tpu.memref_squeeze %dma_wait3A_67 : memref<1x!tpu.dma_semaphore, #tpu.memory_space<semaphore_mem>> -> memref<!tpu.dma_semaphore, #tpu.memory_space<semaphore_mem>>
        %dma_wait3A_69 = arith.constant 0 : i32
        %dma_wait3A_70 = arith.constant 0 : i32
        %dma_wait3A_71 = tpu.memref_slice %arg4[%dma_wait3A, %dma_wait3A_69, %dma_wait3A_70] : memref<2x200x64xf32, #tpu.memory_space<vmem>> -> memref<1x200x64xf32, #tpu.memory_space<vmem>>
        %dma_wait3A_72 = tpu.memref_squeeze %dma_wait3A_71 : memref<1x200x64xf32, #tpu.memory_space<vmem>> -> memref<200x64xf32, #tpu.memory_space<vmem>>
        %dma_wait3A_73 = arith.constant 0 : i32
        %dma_wait3A_74 = arith.constant 0 : i32
        %dma_wait3A_75 = tpu.memref_slice %arg2[%dma_wait3A_73, %dma_wait3A_74] : memref<1000000x64xf32, #tpu.memory_space<hbm>> -> memref<200x64xf32, #tpu.memory_space<hbm>>
        tpu.wait_dma2 semaphore(%dma_wait3A_68 : memref<!tpu.dma_semaphore, #tpu.memory_space<semaphore_mem>>) src(%dma_wait3A_75 : memref<200x64xf32, #tpu.memory_space<hbm>>) dst(%dma_wait3A_72 : memref<200x64xf32, #tpu.memory_space<vmem>>)
        %add3A_76 = arith.constant 1 : i32
        %add3A_77 = arith.addi %add3A_46, %add3A_76 : i32
        %lt3A_78 = arith.cmpi slt, %add3A_77, %select_n3A : i32
        %convert_element_type3A_79 = arith.extui %lt3A_78 : i1 to i32
        %cond3A_80 = arith.constant 0 : i32
        %cond3A_81 = arith.cmpi ne, %convert_element_type3A_79, %cond3A_80 : i32
        scf.if %cond3A_81 {
          %add3A_114 = arith.constant 1 : i32
          %add3A_115 = arith.addi %add3A_46, %add3A_114 : i32
          %mul3A_116 = arith.constant 32 : i32
          %mul3A_117 = arith.muli %add3A_115, %mul3A_116 : i32
          %add3A_118 = arith.addi %mul3A_117, %add3A : i32
          %mul3A_119 = arith.constant 200 : i32
          %mul3A_120 = arith.muli %add3A_118, %mul3A_119 : i32
          %dma_start3A_121 = arith.constant 1 : i32
          %dma_start3A_122 = arith.constant 1 : i32
          %dma_start3A_123 = arith.constant 0 : i32
          %dma_start3A_124 = arith.constant 0 : i32
          %dma_start3A_125 = tpu.memref_slice %arg4[%dma_start3A_121, %dma_start3A_123, %dma_start3A_124] : memref<2x200x64xf32, #tpu.memory_space<vmem>> -> memref<1x200x64xf32, #tpu.memory_space<vmem>>
          %dma_start3A_126 = tpu.memref_squeeze %dma_start3A_125 : memref<1x200x64xf32, #tpu.memory_space<vmem>> -> memref<200x64xf32, #tpu.memory_space<vmem>>
          %dma_start3A_127 = arith.constant 0 : i32
          %dma_start3A_128 = tpu.memref_slice %arg2[%mul3A_120, %dma_start3A_127] : memref<1000000x64xf32, #tpu.memory_space<hbm>> -> memref<200x64xf32, #tpu.memory_space<hbm>>
          %dma_start3A_129 = tpu.memref_slice %arg6[%dma_start3A_122] : memref<2x!tpu.dma_semaphore, #tpu.memory_space<semaphore_mem>> -> memref<1x!tpu.dma_semaphore, #tpu.memory_space<semaphore_mem>>
          %dma_start3A_130 = tpu.memref_squeeze %dma_start3A_129 : memref<1x!tpu.dma_semaphore, #tpu.memory_space<semaphore_mem>> -> memref<!tpu.dma_semaphore, #tpu.memory_space<semaphore_mem>>
          %dma_start3A_131 = arith.constant 0 : i32
          %dma_start3A_132 = arith.constant 0 : i32
          %dma_start3A_133 = tpu.memref_slice %arg4[%dma_start3A_121, %dma_start3A_131, %dma_start3A_132] : memref<2x200x64xf32, #tpu.memory_space<vmem>> -> memref<1x200x64xf32, #tpu.memory_space<vmem>>
          %dma_start3A_134 = tpu.memref_squeeze %dma_start3A_133 : memref<1x200x64xf32, #tpu.memory_space<vmem>> -> memref<200x64xf32, #tpu.memory_space<vmem>>
          %dma_start3A_135 = arith.constant 0 : i32
          %dma_start3A_136 = tpu.memref_slice %arg2[%mul3A_120, %dma_start3A_135] : memref<1000000x64xf32, #tpu.memory_space<hbm>> -> memref<200x64xf32, #tpu.memory_space<hbm>>
          tpu.enqueue_dma source(%dma_start3A_136 : memref<200x64xf32, #tpu.memory_space<hbm>>) target(%dma_start3A_134 : memref<200x64xf32, #tpu.memory_space<vmem>>) target_semaphore(%dma_start3A_130 : memref<!tpu.dma_semaphore, #tpu.memory_space<semaphore_mem>>)
        } else {
        }
        %ge3A_82 = arith.constant 2 : i32
        %ge3A_83 = arith.cmpi sge, %add3A_46, %ge3A_82 : i32
        %convert_element_type3A_84 = arith.extui %ge3A_83 : i1 to i32
        %cond3A_85 = arith.constant 0 : i32
        %cond3A_86 = arith.cmpi ne, %convert_element_type3A_84, %cond3A_85 : i32
        scf.if %cond3A_86 {
          %dma_wait3A_114 = arith.constant 0 : i32
          %dma_wait3A_115 = arith.constant 0 : i32
          %dma_wait3A_116 = arith.constant 0 : i32
          %dma_wait3A_117 = arith.constant 0 : i32
          %dma_wait3A_118 = tpu.memref_slice %arg5[%dma_wait3A_114, %dma_wait3A_116, %dma_wait3A_117] : memref<2x200x128xf32, #tpu.memory_space<vmem>> -> memref<1x200x128xf32, #tpu.memory_space<vmem>>
          %dma_wait3A_119 = tpu.memref_squeeze %dma_wait3A_118 : memref<1x200x128xf32, #tpu.memory_space<vmem>> -> memref<200x128xf32, #tpu.memory_space<vmem>>
          %dma_wait3A_120 = arith.constant 0 : i32
          %dma_wait3A_121 = arith.constant 0 : i32
          %dma_wait3A_122 = tpu.memref_slice %arg3[%dma_wait3A_120, %dma_wait3A_121] : memref<1000000x128xf32, #tpu.memory_space<hbm>> -> memref<200x128xf32, #tpu.memory_space<hbm>>
          %dma_wait3A_123 = tpu.memref_slice %arg7[%dma_wait3A_115] : memref<2x!tpu.dma_semaphore, #tpu.memory_space<semaphore_mem>> -> memref<1x!tpu.dma_semaphore, #tpu.memory_space<semaphore_mem>>
          %dma_wait3A_124 = tpu.memref_squeeze %dma_wait3A_123 : memref<1x!tpu.dma_semaphore, #tpu.memory_space<semaphore_mem>> -> memref<!tpu.dma_semaphore, #tpu.memory_space<semaphore_mem>>
          %dma_wait3A_125 = arith.constant 0 : i32
          %dma_wait3A_126 = arith.constant 0 : i32
          %dma_wait3A_127 = tpu.memref_slice %arg3[%dma_wait3A_125, %dma_wait3A_126] : memref<1000000x128xf32, #tpu.memory_space<hbm>> -> memref<200x128xf32, #tpu.memory_space<hbm>>
          %dma_wait3A_128 = arith.constant 0 : i32
          %dma_wait3A_129 = arith.constant 0 : i32
          %dma_wait3A_130 = tpu.memref_slice %arg5[%dma_wait3A_114, %dma_wait3A_128, %dma_wait3A_129] : memref<2x200x128xf32, #tpu.memory_space<vmem>> -> memref<1x200x128xf32, #tpu.memory_space<vmem>>
          %dma_wait3A_131 = tpu.memref_squeeze %dma_wait3A_130 : memref<1x200x128xf32, #tpu.memory_space<vmem>> -> memref<200x128xf32, #tpu.memory_space<vmem>>
          tpu.wait_dma2 semaphore(%dma_wait3A_124 : memref<!tpu.dma_semaphore, #tpu.memory_space<semaphore_mem>>) src(%dma_wait3A_131 : memref<200x128xf32, #tpu.memory_space<vmem>>) dst(%dma_wait3A_127 : memref<200x128xf32, #tpu.memory_space<hbm>>)
        } else {
        }
        %scan3A_87 = arith.constant 0 : i32
        %scan3A_88 = arith.constant 0 : i32
        %scan3A_89 = arith.constant 200 : i32
        %scan3A_90 = arith.addi %scan3A_88, %scan3A_89 : i32
        %scan3A_91 = arith.constant 4 : i32
        %scan3A_92 = scf.for %scan3A_114 = %scan3A_88 to %scan3A_90 step %scan3A_91 iter_args(%scan3A_115 = %scan3A_87) -> (i32)  : i32 {
          %get3A = arith.constant 0 : i32
          %get3A_116 = arith.index_cast %get3A : i32 to index
          %get3A_117 = arith.index_cast %scan3A_114 : i32 to index
          %get3A_118 = arith.constant 0 : index
          %get3A_119 = tpu.vector_load %arg4[%get3A_116, %get3A_117, %get3A_118] {strides = array<i32>} : memref<2x200x64xf32, #tpu.memory_space<vmem>>, vector<1x1x16xf32>,
          %get3A_120 = vector.shape_cast %get3A_119 : vector<1x1x16xf32> to vector<16xf32>
          %mul3A_121 = arith.constant 8.000000e+00 : f32
          %mul3A_122 = vector.broadcast %mul3A_121 : f32 to vector<16xf32>
          %mul3A_123 = arith.mulf %get3A_120, %mul3A_122 : vector<16xf32>
          %swap3A = arith.constant 0 : i32
          %swap3A_124 = arith.index_cast %swap3A : i32 to index
          %swap3A_125 = arith.index_cast %scan3A_114 : i32 to index
          %swap3A_126 = arith.constant 0 : index
          %swap3A_127 = tpu.vector_load %arg5[%swap3A_124, %swap3A_125, %swap3A_126] {strides = array<i32>} : memref<2x200x128xf32, #tpu.memory_space<vmem>>, vector<1x1x16xf32>,
          %swap3A_128 = vector.shape_cast %swap3A_127 : vector<1x1x16xf32> to vector<16xf32>
          %swap3A_129 = vector.shape_cast %mul3A_123 : vector<16xf32> to vector<1x1x16xf32>
          tpu.vector_store %arg5[%swap3A_124, %swap3A_125, %swap3A_126], %swap3A_129 {strides = array<i32>} : memref<2x200x128xf32, #tpu.memory_space<vmem>>, vector<1x1x16xf32>,
          %get3A_130 = arith.constant 0 : i32
          %get3A_131 = arith.index_cast %get3A_130 : i32 to index
          %get3A_132 = arith.index_cast %scan3A_114 : i32 to index
          %get3A_133 = arith.constant 16 : index
          %get3A_134 = tpu.vector_load %arg4[%get3A_131, %get3A_132, %get3A_133] {strides = array<i32>} : memref<2x200x64xf32, #tpu.memory_space<vmem>>, vector<1x1x16xf32>,
          %get3A_135 = vector.shape_cast %get3A_134 : vector<1x1x16xf32> to vector<16xf32>
          %mul3A_136 = arith.constant 8.000000e+00 : f32
          %mul3A_137 = vector.broadcast %mul3A_136 : f32 to vector<16xf32>
          %mul3A_138 = arith.mulf %get3A_135, %mul3A_137 : vector<16xf32>
          %swap3A_139 = arith.constant 0 : i32
          %swap3A_140 = arith.index_cast %swap3A_139 : i32 to index
          %swap3A_141 = arith.index_cast %scan3A_114 : i32 to index
          %swap3A_142 = arith.constant 16 : index
          %swap3A_143 = tpu.vector_load %arg5[%swap3A_140, %swap3A_141, %swap3A_142] {strides = array<i32>} : memref<2x200x128xf32, #tpu.memory_space<vmem>>, vector<1x1x16xf32>,
          %swap3A_144 = vector.shape_cast %swap3A_143 : vector<1x1x16xf32> to vector<16xf32>
          %swap3A_145 = vector.shape_cast %mul3A_138 : vector<16xf32> to vector<1x1x16xf32>
          tpu.vector_store %arg5[%swap3A_140, %swap3A_141, %swap3A_142], %swap3A_145 {strides = array<i32>} : memref<2x200x128xf32, #tpu.memory_space<vmem>>, vector<1x1x16xf32>,
          %get3A_146 = arith.constant 0 : i32
          %get3A_147 = arith.index_cast %get3A_146 : i32 to index
          %get3A_148 = arith.index_cast %scan3A_114 : i32 to index
          %get3A_149 = arith.constant 32 : index
          %get3A_150 = tpu.vector_load %arg4[%get3A_147, %get3A_148, %get3A_149] {strides = array<i32>} : memref<2x200x64xf32, #tpu.memory_space<vmem>>, vector<1x1x16xf32>,
          %get3A_151 = vector.shape_cast %get3A_150 : vector<1x1x16xf32> to vector<16xf32>
          %mul3A_152 = arith.constant 8.000000e+00 : f32
          %mul3A_153 = vector.broadcast %mul3A_152 : f32 to vector<16xf32>
          %mul3A_154 = arith.mulf %get3A_151, %mul3A_153 : vector<16xf32>
          %swap3A_155 = arith.constant 0 : i32
          %swap3A_156 = arith.index_cast %swap3A_155 : i32 to index
          %swap3A_157 = arith.index_cast %scan3A_114 : i32 to index
          %swap3A_158 = arith.constant 32 : index
          %swap3A_159 = tpu.vector_load %arg5[%swap3A_156, %swap3A_157, %swap3A_158] {strides = array<i32>} : memref<2x200x128xf32, #tpu.memory_space<vmem>>, vector<1x1x16xf32>,
          %swap3A_160 = vector.shape_cast %swap3A_159 : vector<1x1x16xf32> to vector<16xf32>
          %swap3A_161 = vector.shape_cast %mul3A_154 : vector<16xf32> to vector<1x1x16xf32>
          tpu.vector_store %arg5[%swap3A_156, %swap3A_157, %swap3A_158], %swap3A_161 {strides = array<i32>} : memref<2x200x128xf32, #tpu.memory_space<vmem>>, vector<1x1x16xf32>,
          %get3A_162 = arith.constant 0 : i32
          %get3A_163 = arith.index_cast %get3A_162 : i32 to index
          %get3A_164 = arith.index_cast %scan3A_114 : i32 to index
          %get3A_165 = arith.constant 48 : index
          %get3A_166 = tpu.vector_load %arg4[%get3A_163, %get3A_164, %get3A_165] {strides = array<i32>} : memref<2x200x64xf32, #tpu.memory_space<vmem>>, vector<1x1x16xf32>,
          %get3A_167 = vector.shape_cast %get3A_166 : vector<1x1x16xf32> to vector<16xf32>
          %mul3A_168 = arith.constant 8.000000e+00 : f32
          %mul3A_169 = vector.broadcast %mul3A_168 : f32 to vector<16xf32>
          %mul3A_170 = arith.mulf %get3A_167, %mul3A_169 : vector<16xf32>
          %swap3A_171 = arith.constant 0 : i32
          %swap3A_172 = arith.index_cast %swap3A_171 : i32 to index
          %swap3A_173 = arith.index_cast %scan3A_114 : i32 to index
          %swap3A_174 = arith.constant 48 : index
          %swap3A_175 = tpu.vector_load %arg5[%swap3A_172, %swap3A_173, %swap3A_174] {strides = array<i32>} : memref<2x200x128xf32, #tpu.memory_space<vmem>>, vector<1x1x16xf32>,
          %swap3A_176 = vector.shape_cast %swap3A_175 : vector<1x1x16xf32> to vector<16xf32>
          %swap3A_177 = vector.shape_cast %mul3A_170 : vector<16xf32> to vector<1x1x16xf32>
          tpu.vector_store %arg5[%swap3A_172, %swap3A_173, %swap3A_174], %swap3A_177 {strides = array<i32>} : memref<2x200x128xf32, #tpu.memory_space<vmem>>, vector<1x1x16xf32>,
          %scan3A_178 = arith.constant 0 : i32
          %scan3A_179 = arith.constant 1 : i32
          %scan3A_180 = arith.addi %scan3A_114, %scan3A_179 : i32
          %get3A_181 = arith.constant 0 : i32
          %get3A_182 = arith.index_cast %get3A_181 : i32 to index
          %get3A_183 = arith.index_cast %scan3A_180 : i32 to index
          %get3A_184 = arith.constant 0 : index
          %get3A_185 = tpu.vector_load %arg4[%get3A_182, %get3A_183, %get3A_184] {strides = array<i32>} : memref<2x200x64xf32, #tpu.memory_space<vmem>>, vector<1x1x16xf32>,
          %get3A_186 = vector.shape_cast %get3A_185 : vector<1x1x16xf32> to vector<16xf32>
          %mul3A_187 = arith.constant 8.000000e+00 : f32
          %mul3A_188 = vector.broadcast %mul3A_187 : f32 to vector<16xf32>
          %mul3A_189 = arith.mulf %get3A_186, %mul3A_188 : vector<16xf32>
          %swap3A_190 = arith.constant 0 : i32
          %swap3A_191 = arith.index_cast %swap3A_190 : i32 to index
          %swap3A_192 = arith.index_cast %scan3A_180 : i32 to index
          %swap3A_193 = arith.constant 0 : index
          %swap3A_194 = tpu.vector_load %arg5[%swap3A_191, %swap3A_192, %swap3A_193] {strides = array<i32>} : memref<2x200x128xf32, #tpu.memory_space<vmem>>, vector<1x1x16xf32>,
          %swap3A_195 = vector.shape_cast %swap3A_194 : vector<1x1x16xf32> to vector<16xf32>
          %swap3A_196 = vector.shape_cast %mul3A_189 : vector<16xf32> to vector<1x1x16xf32>
          tpu.vector_store %arg5[%swap3A_191, %swap3A_192, %swap3A_193], %swap3A_196 {strides = array<i32>} : memref<2x200x128xf32, #tpu.memory_space<vmem>>, vector<1x1x16xf32>,
          %get3A_197 = arith.constant 0 : i32
          %get3A_198 = arith.index_cast %get3A_197 : i32 to index
          %get3A_199 = arith.index_cast %scan3A_180 : i32 to index
          %get3A_200 = arith.constant 16 : index
          %get3A_201 = tpu.vector_load %arg4[%get3A_198, %get3A_199, %get3A_200] {strides = array<i32>} : memref<2x200x64xf32, #tpu.memory_space<vmem>>, vector<1x1x16xf32>,
          %get3A_202 = vector.shape_cast %get3A_201 : vector<1x1x16xf32> to vector<16xf32>
          %mul3A_203 = arith.constant 8.000000e+00 : f32
          %mul3A_204 = vector.broadcast %mul3A_203 : f32 to vector<16xf32>
          %mul3A_205 = arith.mulf %get3A_202, %mul3A_204 : vector<16xf32>
          %swap3A_206 = arith.constant 0 : i32
          %swap3A_207 = arith.index_cast %swap3A_206 : i32 to index
          %swap3A_208 = arith.index_cast %scan3A_180 : i32 to index
          %swap3A_209 = arith.constant 16 : index
          %swap3A_210 = tpu.vector_load %arg5[%swap3A_207, %swap3A_208, %swap3A_209] {strides = array<i32>} : memref<2x200x128xf32, #tpu.memory_space<vmem>>, vector<1x1x16xf32>,
          %swap3A_211 = vector.shape_cast %swap3A_210 : vector<1x1x16xf32> to vector<16xf32>
          %swap3A_212 = vector.shape_cast %mul3A_205 : vector<16xf32> to vector<1x1x16xf32>
          tpu.vector_store %arg5[%swap3A_207, %swap3A_208, %swap3A_209], %swap3A_212 {strides = array<i32>} : memref<2x200x128xf32, #tpu.memory_space<vmem>>, vector<1x1x16xf32>,
          %get3A_213 = arith.constant 0 : i32
          %get3A_214 = arith.index_cast %get3A_213 : i32 to index
          %get3A_215 = arith.index_cast %scan3A_180 : i32 to index
          %get3A_216 = arith.constant 32 : index
          %get3A_217 = tpu.vector_load %arg4[%get3A_214, %get3A_215, %get3A_216] {strides = array<i32>} : memref<2x200x64xf32, #tpu.memory_space<vmem>>, vector<1x1x16xf32>,
          %get3A_218 = vector.shape_cast %get3A_217 : vector<1x1x16xf32> to vector<16xf32>
          %mul3A_219 = arith.constant 8.000000e+00 : f32
          %mul3A_220 = vector.broadcast %mul3A_219 : f32 to vector<16xf32>
          %mul3A_221 = arith.mulf %get3A_218, %mul3A_220 : vector<16xf32>
          %swap3A_222 = arith.constant 0 : i32
          %swap3A_223 = arith.index_cast %swap3A_222 : i32 to index
          %swap3A_224 = arith.index_cast %scan3A_180 : i32 to index
          %swap3A_225 = arith.constant 32 : index
          %swap3A_226 = tpu.vector_load %arg5[%swap3A_223, %swap3A_224, %swap3A_225] {strides = array<i32>} : memref<2x200x128xf32, #tpu.memory_space<vmem>>, vector<1x1x16xf32>,
          %swap3A_227 = vector.shape_cast %swap3A_226 : vector<1x1x16xf32> to vector<16xf32>
          %swap3A_228 = vector.shape_cast %mul3A_221 : vector<16xf32> to vector<1x1x16xf32>
          tpu.vector_store %arg5[%swap3A_223, %swap3A_224, %swap3A_225], %swap3A_228 {strides = array<i32>} : memref<2x200x128xf32, #tpu.memory_space<vmem>>, vector<1x1x16xf32>,
          %get3A_229 = arith.constant 0 : i32
          %get3A_230 = arith.index_cast %get3A_229 : i32 to index
          %get3A_231 = arith.index_cast %scan3A_180 : i32 to index
          %get3A_232 = arith.constant 48 : index
          %get3A_233 = tpu.vector_load %arg4[%get3A_230, %get3A_231, %get3A_232] {strides = array<i32>} : memref<2x200x64xf32, #tpu.memory_space<vmem>>, vector<1x1x16xf32>,
          %get3A_234 = vector.shape_cast %get3A_233 : vector<1x1x16xf32> to vector<16xf32>
          %mul3A_235 = arith.constant 8.000000e+00 : f32
          %mul3A_236 = vector.broadcast %mul3A_235 : f32 to vector<16xf32>
          %mul3A_237 = arith.mulf %get3A_234, %mul3A_236 : vector<16xf32>
          %swap3A_238 = arith.constant 0 : i32
          %swap3A_239 = arith.index_cast %swap3A_238 : i32 to index
          %swap3A_240 = arith.index_cast %scan3A_180 : i32 to index
          %swap3A_241 = arith.constant 48 : index
          %swap3A_242 = tpu.vector_load %arg5[%swap3A_239, %swap3A_240, %swap3A_241] {strides = array<i32>} : memref<2x200x128xf32, #tpu.memory_space<vmem>>, vector<1x1x16xf32>,
          %swap3A_243 = vector.shape_cast %swap3A_242 : vector<1x1x16xf32> to vector<16xf32>
          %swap3A_244 = vector.shape_cast %mul3A_237 : vector<16xf32> to vector<1x1x16xf32>
          tpu.vector_store %arg5[%swap3A_239, %swap3A_240, %swap3A_241], %swap3A_244 {strides = array<i32>} : memref<2x200x128xf32, #tpu.memory_space<vmem>>, vector<1x1x16xf32>,
          %scan3A_245 = arith.constant 0 : i32
          %scan3A_246 = arith.constant 2 : i32
          %scan3A_247 = arith.addi %scan3A_114, %scan3A_246 : i32
          %get3A_248 = arith.constant 0 : i32
          %get3A_249 = arith.index_cast %get3A_248 : i32 to index
          %get3A_250 = arith.index_cast %scan3A_247 : i32 to index
          %get3A_251 = arith.constant 0 : index
          %get3A_252 = tpu.vector_load %arg4[%get3A_249, %get3A_250, %get3A_251] {strides = array<i32>} : memref<2x200x64xf32, #tpu.memory_space<vmem>>, vector<1x1x16xf32>,
          %get3A_253 = vector.shape_cast %get3A_252 : vector<1x1x16xf32> to vector<16xf32>
          %mul3A_254 = arith.constant 8.000000e+00 : f32
          %mul3A_255 = vector.broadcast %mul3A_254 : f32 to vector<16xf32>
          %mul3A_256 = arith.mulf %get3A_253, %mul3A_255 : vector<16xf32>
          %swap3A_257 = arith.constant 0 : i32
          %swap3A_258 = arith.index_cast %swap3A_257 : i32 to index
          %swap3A_259 = arith.index_cast %scan3A_247 : i32 to index
          %swap3A_260 = arith.constant 0 : index
          %swap3A_261 = tpu.vector_load %arg5[%swap3A_258, %swap3A_259, %swap3A_260] {strides = array<i32>} : memref<2x200x128xf32, #tpu.memory_space<vmem>>, vector<1x1x16xf32>,
          %swap3A_262 = vector.shape_cast %swap3A_261 : vector<1x1x16xf32> to vector<16xf32>
          %swap3A_263 = vector.shape_cast %mul3A_256 : vector<16xf32> to vector<1x1x16xf32>
          tpu.vector_store %arg5[%swap3A_258, %swap3A_259, %swap3A_260], %swap3A_263 {strides = array<i32>} : memref<2x200x128xf32, #tpu.memory_space<vmem>>, vector<1x1x16xf32>,
          %get3A_264 = arith.constant 0 : i32
          %get3A_265 = arith.index_cast %get3A_264 : i32 to index
          %get3A_266 = arith.index_cast %scan3A_247 : i32 to index
          %get3A_267 = arith.constant 16 : index
          %get3A_268 = tpu.vector_load %arg4[%get3A_265, %get3A_266, %get3A_267] {strides = array<i32>} : memref<2x200x64xf32, #tpu.memory_space<vmem>>, vector<1x1x16xf32>,
          %get3A_269 = vector.shape_cast %get3A_268 : vector<1x1x16xf32> to vector<16xf32>
          %mul3A_270 = arith.constant 8.000000e+00 : f32
          %mul3A_271 = vector.broadcast %mul3A_270 : f32 to vector<16xf32>
          %mul3A_272 = arith.mulf %get3A_269, %mul3A_271 : vector<16xf32>
          %swap3A_273 = arith.constant 0 : i32
          %swap3A_274 = arith.index_cast %swap3A_273 : i32 to index
          %swap3A_275 = arith.index_cast %scan3A_247 : i32 to index
          %swap3A_276 = arith.constant 16 : index
          %swap3A_277 = tpu.vector_load %arg5[%swap3A_274, %swap3A_275, %swap3A_276] {strides = array<i32>} : memref<2x200x128xf32, #tpu.memory_space<vmem>>, vector<1x1x16xf32>,
          %swap3A_278 = vector.shape_cast %swap3A_277 : vector<1x1x16xf32> to vector<16xf32>
          %swap3A_279 = vector.shape_cast %mul3A_272 : vector<16xf32> to vector<1x1x16xf32>
          tpu.vector_store %arg5[%swap3A_274, %swap3A_275, %swap3A_276], %swap3A_279 {strides = array<i32>} : memref<2x200x128xf32, #tpu.memory_space<vmem>>, vector<1x1x16xf32>,
          %get3A_280 = arith.constant 0 : i32
          %get3A_281 = arith.index_cast %get3A_280 : i32 to index
          %get3A_282 = arith.index_cast %scan3A_247 : i32 to index
          %get3A_283 = arith.constant 32 : index
          %get3A_284 = tpu.vector_load %arg4[%get3A_281, %get3A_282, %get3A_283] {strides = array<i32>} : memref<2x200x64xf32, #tpu.memory_space<vmem>>, vector<1x1x16xf32>,
          %get3A_285 = vector.shape_cast %get3A_284 : vector<1x1x16xf32> to vector<16xf32>
          %mul3A_286 = arith.constant 8.000000e+00 : f32
          %mul3A_287 = vector.broadcast %mul3A_286 : f32 to vector<16xf32>
          %mul3A_288 = arith.mulf %get3A_285, %mul3A_287 : vector<16xf32>
          %swap3A_289 = arith.constant 0 : i32
          %swap3A_290 = arith.index_cast %swap3A_289 : i32 to index
          %swap3A_291 = arith.index_cast %scan3A_247 : i32 to index
          %swap3A_292 = arith.constant 32 : index
          %swap3A_293 = tpu.vector_load %arg5[%swap3A_290, %swap3A_291, %swap3A_292] {strides = array<i32>} : memref<2x200x128xf32, #tpu.memory_space<vmem>>, vector<1x1x16xf32>,
          %swap3A_294 = vector.shape_cast %swap3A_293 : vector<1x1x16xf32> to vector<16xf32>
          %swap3A_295 = vector.shape_cast %mul3A_288 : vector<16xf32> to vector<1x1x16xf32>
          tpu.vector_store %arg5[%swap3A_290, %swap3A_291, %swap3A_292], %swap3A_295 {strides = array<i32>} : memref<2x200x128xf32, #tpu.memory_space<vmem>>, vector<1x1x16xf32>,
          %get3A_296 = arith.constant 0 : i32
          %get3A_297 = arith.index_cast %get3A_296 : i32 to index
          %get3A_298 = arith.index_cast %scan3A_247 : i32 to index
          %get3A_299 = arith.constant 48 : index
          %get3A_300 = tpu.vector_load %arg4[%get3A_297, %get3A_298, %get3A_299] {strides = array<i32>} : memref<2x200x64xf32, #tpu.memory_space<vmem>>, vector<1x1x16xf32>,
          %get3A_301 = vector.shape_cast %get3A_300 : vector<1x1x16xf32> to vector<16xf32>
          %mul3A_302 = arith.constant 8.000000e+00 : f32
          %mul3A_303 = vector.broadcast %mul3A_302 : f32 to vector<16xf32>
          %mul3A_304 = arith.mulf %get3A_301, %mul3A_303 : vector<16xf32>
          %swap3A_305 = arith.constant 0 : i32
          %swap3A_306 = arith.index_cast %swap3A_305 : i32 to index
          %swap3A_307 = arith.index_cast %scan3A_247 : i32 to index
          %swap3A_308 = arith.constant 48 : index
          %swap3A_309 = tpu.vector_load %arg5[%swap3A_306, %swap3A_307, %swap3A_308] {strides = array<i32>} : memref<2x200x128xf32, #tpu.memory_space<vmem>>, vector<1x1x16xf32>,
          %swap3A_310 = vector.shape_cast %swap3A_309 : vector<1x1x16xf32> to vector<16xf32>
          %swap3A_311 = vector.shape_cast %mul3A_304 : vector<16xf32> to vector<1x1x16xf32>
          tpu.vector_store %arg5[%swap3A_306, %swap3A_307, %swap3A_308], %swap3A_311 {strides = array<i32>} : memref<2x200x128xf32, #tpu.memory_space<vmem>>, vector<1x1x16xf32>,
          %scan3A_312 = arith.constant 0 : i32
          %scan3A_313 = arith.constant 3 : i32
          %scan3A_314 = arith.addi %scan3A_114, %scan3A_313 : i32
          %get3A_315 = arith.constant 0 : i32
          %get3A_316 = arith.index_cast %get3A_315 : i32 to index
          %get3A_317 = arith.index_cast %scan3A_314 : i32 to index
          %get3A_318 = arith.constant 0 : index
          %get3A_319 = tpu.vector_load %arg4[%get3A_316, %get3A_317, %get3A_318] {strides = array<i32>} : memref<2x200x64xf32, #tpu.memory_space<vmem>>, vector<1x1x16xf32>,
          %get3A_320 = vector.shape_cast %get3A_319 : vector<1x1x16xf32> to vector<16xf32>
          %mul3A_321 = arith.constant 8.000000e+00 : f32
          %mul3A_322 = vector.broadcast %mul3A_321 : f32 to vector<16xf32>
          %mul3A_323 = arith.mulf %get3A_320, %mul3A_322 : vector<16xf32>
          %swap3A_324 = arith.constant 0 : i32
          %swap3A_325 = arith.index_cast %swap3A_324 : i32 to index
          %swap3A_326 = arith.index_cast %scan3A_314 : i32 to index
          %swap3A_327 = arith.constant 0 : index
          %swap3A_328 = tpu.vector_load %arg5[%swap3A_325, %swap3A_326, %swap3A_327] {strides = array<i32>} : memref<2x200x128xf32, #tpu.memory_space<vmem>>, vector<1x1x16xf32>,
          %swap3A_329 = vector.shape_cast %swap3A_328 : vector<1x1x16xf32> to vector<16xf32>
          %swap3A_330 = vector.shape_cast %mul3A_323 : vector<16xf32> to vector<1x1x16xf32>
          tpu.vector_store %arg5[%swap3A_325, %swap3A_326, %swap3A_327], %swap3A_330 {strides = array<i32>} : memref<2x200x128xf32, #tpu.memory_space<vmem>>, vector<1x1x16xf32>,
          %get3A_331 = arith.constant 0 : i32
          %get3A_332 = arith.index_cast %get3A_331 : i32 to index
          %get3A_333 = arith.index_cast %scan3A_314 : i32 to index
          %get3A_334 = arith.constant 16 : index
          %get3A_335 = tpu.vector_load %arg4[%get3A_332, %get3A_333, %get3A_334] {strides = array<i32>} : memref<2x200x64xf32, #tpu.memory_space<vmem>>, vector<1x1x16xf32>,
          %get3A_336 = vector.shape_cast %get3A_335 : vector<1x1x16xf32> to vector<16xf32>
          %mul3A_337 = arith.constant 8.000000e+00 : f32
          %mul3A_338 = vector.broadcast %mul3A_337 : f32 to vector<16xf32>
          %mul3A_339 = arith.mulf %get3A_336, %mul3A_338 : vector<16xf32>
          %swap3A_340 = arith.constant 0 : i32
          %swap3A_341 = arith.index_cast %swap3A_340 : i32 to index
          %swap3A_342 = arith.index_cast %scan3A_314 : i32 to index
          %swap3A_343 = arith.constant 16 : index
          %swap3A_344 = tpu.vector_load %arg5[%swap3A_341, %swap3A_342, %swap3A_343] {strides = array<i32>} : memref<2x200x128xf32, #tpu.memory_space<vmem>>, vector<1x1x16xf32>,
          %swap3A_345 = vector.shape_cast %swap3A_344 : vector<1x1x16xf32> to vector<16xf32>
          %swap3A_346 = vector.shape_cast %mul3A_339 : vector<16xf32> to vector<1x1x16xf32>
          tpu.vector_store %arg5[%swap3A_341, %swap3A_342, %swap3A_343], %swap3A_346 {strides = array<i32>} : memref<2x200x128xf32, #tpu.memory_space<vmem>>, vector<1x1x16xf32>,
          %get3A_347 = arith.constant 0 : i32
          %get3A_348 = arith.index_cast %get3A_347 : i32 to index
          %get3A_349 = arith.index_cast %scan3A_314 : i32 to index
          %get3A_350 = arith.constant 32 : index
          %get3A_351 = tpu.vector_load %arg4[%get3A_348, %get3A_349, %get3A_350] {strides = array<i32>} : memref<2x200x64xf32, #tpu.memory_space<vmem>>, vector<1x1x16xf32>,
          %get3A_352 = vector.shape_cast %get3A_351 : vector<1x1x16xf32> to vector<16xf32>
          %mul3A_353 = arith.constant 8.000000e+00 : f32
          %mul3A_354 = vector.broadcast %mul3A_353 : f32 to vector<16xf32>
          %mul3A_355 = arith.mulf %get3A_352, %mul3A_354 : vector<16xf32>
          %swap3A_356 = arith.constant 0 : i32
          %swap3A_357 = arith.index_cast %swap3A_356 : i32 to index
          %swap3A_358 = arith.index_cast %scan3A_314 : i32 to index
          %swap3A_359 = arith.constant 32 : index
          %swap3A_360 = tpu.vector_load %arg5[%swap3A_357, %swap3A_358, %swap3A_359] {strides = array<i32>} : memref<2x200x128xf32, #tpu.memory_space<vmem>>, vector<1x1x16xf32>,
          %swap3A_361 = vector.shape_cast %swap3A_360 : vector<1x1x16xf32> to vector<16xf32>
          %swap3A_362 = vector.shape_cast %mul3A_355 : vector<16xf32> to vector<1x1x16xf32>
          tpu.vector_store %arg5[%swap3A_357, %swap3A_358, %swap3A_359], %swap3A_362 {strides = array<i32>} : memref<2x200x128xf32, #tpu.memory_space<vmem>>, vector<1x1x16xf32>,
          %get3A_363 = arith.constant 0 : i32
          %get3A_364 = arith.index_cast %get3A_363 : i32 to index
          %get3A_365 = arith.index_cast %scan3A_314 : i32 to index
          %get3A_366 = arith.constant 48 : index
          %get3A_367 = tpu.vector_load %arg4[%get3A_364, %get3A_365, %get3A_366] {strides = array<i32>} : memref<2x200x64xf32, #tpu.memory_space<vmem>>, vector<1x1x16xf32>,
          %get3A_368 = vector.shape_cast %get3A_367 : vector<1x1x16xf32> to vector<16xf32>
          %mul3A_369 = arith.constant 8.000000e+00 : f32
          %mul3A_370 = vector.broadcast %mul3A_369 : f32 to vector<16xf32>
          %mul3A_371 = arith.mulf %get3A_368, %mul3A_370 : vector<16xf32>
          %swap3A_372 = arith.constant 0 : i32
          %swap3A_373 = arith.index_cast %swap3A_372 : i32 to index
          %swap3A_374 = arith.index_cast %scan3A_314 : i32 to index
          %swap3A_375 = arith.constant 48 : index
          %swap3A_376 = tpu.vector_load %arg5[%swap3A_373, %swap3A_374, %swap3A_375] {strides = array<i32>} : memref<2x200x128xf32, #tpu.memory_space<vmem>>, vector<1x1x16xf32>,
          %swap3A_377 = vector.shape_cast %swap3A_376 : vector<1x1x16xf32> to vector<16xf32>
          %swap3A_378 = vector.shape_cast %mul3A_371 : vector<16xf32> to vector<1x1x16xf32>
          tpu.vector_store %arg5[%swap3A_373, %swap3A_374, %swap3A_375], %swap3A_378 {strides = array<i32>} : memref<2x200x128xf32, #tpu.memory_space<vmem>>, vector<1x1x16xf32>,
          %scan3A_379 = arith.constant 0 : i32
          scf.yield %scan3A_379 : i32
        }
        %scan3A_93 = arith.constant 200 : i32
        %mul3A_94 = arith.constant 32 : i32
        %mul3A_95 = arith.muli %add3A_46, %mul3A_94 : i32
        %add3A_96 = arith.addi %mul3A_95, %add3A : i32
        %mul3A_97 = arith.constant 200 : i32
        %mul3A_98 = arith.muli %add3A_96, %mul3A_97 : i32
        %dma_start3A = arith.constant 0 : i32
        %dma_start3A_99 = arith.constant 0 : i32
        %dma_start3A_100 = arith.constant 0 : i32
        %dma_start3A_101 = arith.constant 0 : i32
        %dma_start3A_102 = tpu.memref_slice %arg5[%dma_start3A, %dma_start3A_100, %dma_start3A_101] : memref<2x200x128xf32, #tpu.memory_space<vmem>> -> memref<1x200x128xf32, #tpu.memory_space<vmem>>
        %dma_start3A_103 = tpu.memref_squeeze %dma_start3A_102 : memref<1x200x128xf32, #tpu.memory_space<vmem>> -> memref<200x128xf32, #tpu.memory_space<vmem>>
        %dma_start3A_104 = arith.constant 0 : i32
        %dma_start3A_105 = tpu.memref_slice %arg3[%mul3A_98, %dma_start3A_104] : memref<1000000x128xf32, #tpu.memory_space<hbm>> -> memref<200x128xf32, #tpu.memory_space<hbm>>
        %dma_start3A_106 = tpu.memref_slice %arg7[%dma_start3A_99] : memref<2x!tpu.dma_semaphore, #tpu.memory_space<semaphore_mem>> -> memref<1x!tpu.dma_semaphore, #tpu.memory_space<semaphore_mem>>
        %dma_start3A_107 = tpu.memref_squeeze %dma_start3A_106 : memref<1x!tpu.dma_semaphore, #tpu.memory_space<semaphore_mem>> -> memref<!tpu.dma_semaphore, #tpu.memory_space<semaphore_mem>>
        %dma_start3A_108 = arith.constant 0 : i32
        %dma_start3A_109 = tpu.memref_slice %arg3[%mul3A_98, %dma_start3A_108] : memref<1000000x128xf32, #tpu.memory_space<hbm>> -> memref<200x128xf32, #tpu.memory_space<hbm>>
        %dma_start3A_110 = arith.constant 0 : i32
        %dma_start3A_111 = arith.constant 0 : i32
        %dma_start3A_112 = tpu.memref_slice %arg5[%dma_start3A, %dma_start3A_110, %dma_start3A_111] : memref<2x200x128xf32, #tpu.memory_space<vmem>> -> memref<1x200x128xf32, #tpu.memory_space<vmem>>
        %dma_start3A_113 = tpu.memref_squeeze %dma_start3A_112 : memref<1x200x128xf32, #tpu.memory_space<vmem>> -> memref<200x128xf32, #tpu.memory_space<vmem>>
        tpu.enqueue_dma source(%dma_start3A_113 : memref<200x128xf32, #tpu.memory_space<vmem>>) target(%dma_start3A_109 : memref<200x128xf32, #tpu.memory_space<hbm>>) target_semaphore(%dma_start3A_107 : memref<!tpu.dma_semaphore, #tpu.memory_space<semaphore_mem>>)
      } else {
      }
      %mul3A_50 = arith.constant 2 : i32
      %mul3A_51 = arith.muli %mul3A_50, %scan3A_41 : i32
      %add3A_52 = arith.constant 1 : i32
      %add3A_53 = arith.addi %mul3A_51, %add3A_52 : i32
      %lt3A_54 = arith.cmpi slt, %add3A_53, %select_n3A : i32
      %convert_element_type3A_55 = arith.extui %lt3A_54 : i1 to i32
      %cond3A_56 = arith.constant 0 : i32
      %cond3A_57 = arith.cmpi ne, %convert_element_type3A_55, %cond3A_56 : i32
      scf.if %cond3A_57 {
        %dma_wait3A = arith.constant 1 : i32
        %dma_wait3A_59 = arith.constant 1 : i32
        %dma_wait3A_60 = arith.constant 0 : i32
        %dma_wait3A_61 = arith.constant 0 : i32
        %dma_wait3A_62 = tpu.memref_slice %arg4[%dma_wait3A, %dma_wait3A_60, %dma_wait3A_61] : memref<2x200x64xf32, #tpu.memory_space<vmem>> -> memref<1x200x64xf32, #tpu.memory_space<vmem>>
        %dma_wait3A_63 = tpu.memref_squeeze %dma_wait3A_62 : memref<1x200x64xf32, #tpu.memory_space<vmem>> -> memref<200x64xf32, #tpu.memory_space<vmem>>
        %dma_wait3A_64 = arith.constant 0 : i32
        %dma_wait3A_65 = arith.constant 0 : i32
        %dma_wait3A_66 = tpu.memref_slice %arg2[%dma_wait3A_64, %dma_wait3A_65] : memref<1000000x64xf32, #tpu.memory_space<hbm>> -> memref<200x64xf32, #tpu.memory_space<hbm>>
        %dma_wait3A_67 = tpu.memref_slice %arg6[%dma_wait3A_59] : memref<2x!tpu.dma_semaphore, #tpu.memory_space<semaphore_mem>> -> memref<1x!tpu.dma_semaphore, #tpu.memory_space<semaphore_mem>>
        %dma_wait3A_68 = tpu.memref_squeeze %dma_wait3A_67 : memref<1x!tpu.dma_semaphore, #tpu.memory_space<semaphore_mem>> -> memref<!tpu.dma_semaphore, #tpu.memory_space<semaphore_mem>>
        %dma_wait3A_69 = arith.constant 0 : i32
        %dma_wait3A_70 = arith.constant 0 : i32
        %dma_wait3A_71 = tpu.memref_slice %arg4[%dma_wait3A, %dma_wait3A_69, %dma_wait3A_70] : memref<2x200x64xf32, #tpu.memory_space<vmem>> -> memref<1x200x64xf32, #tpu.memory_space<vmem>>
        %dma_wait3A_72 = tpu.memref_squeeze %dma_wait3A_71 : memref<1x200x64xf32, #tpu.memory_space<vmem>> -> memref<200x64xf32, #tpu.memory_space<vmem>>
        %dma_wait3A_73 = arith.constant 0 : i32
        %dma_wait3A_74 = arith.constant 0 : i32
        %dma_wait3A_75 = tpu.memref_slice %arg2[%dma_wait3A_73, %dma_wait3A_74] : memref<1000000x64xf32, #tpu.memory_space<hbm>> -> memref<200x64xf32, #tpu.memory_space<hbm>>
        tpu.wait_dma2 semaphore(%dma_wait3A_68 : memref<!tpu.dma_semaphore, #tpu.memory_space<semaphore_mem>>) src(%dma_wait3A_75 : memref<200x64xf32, #tpu.memory_space<hbm>>) dst(%dma_wait3A_72 : memref<200x64xf32, #tpu.memory_space<vmem>>)
        %add3A_76 = arith.constant 1 : i32
        %add3A_77 = arith.addi %add3A_53, %add3A_76 : i32
        %lt3A_78 = arith.cmpi slt, %add3A_77, %select_n3A : i32
        %convert_element_type3A_79 = arith.extui %lt3A_78 : i1 to i32
        %cond3A_80 = arith.constant 0 : i32
        %cond3A_81 = arith.cmpi ne, %convert_element_type3A_79, %cond3A_80 : i32
        scf.if %cond3A_81 {
          %add3A_114 = arith.constant 1 : i32
          %add3A_115 = arith.addi %add3A_53, %add3A_114 : i32
          %mul3A_116 = arith.constant 32 : i32
          %mul3A_117 = arith.muli %add3A_115, %mul3A_116 : i32
          %add3A_118 = arith.addi %mul3A_117, %add3A : i32
          %mul3A_119 = arith.constant 200 : i32
          %mul3A_120 = arith.muli %add3A_118, %mul3A_119 : i32
          %dma_start3A_121 = arith.constant 0 : i32
          %dma_start3A_122 = arith.constant 0 : i32
          %dma_start3A_123 = arith.constant 0 : i32
          %dma_start3A_124 = arith.constant 0 : i32
          %dma_start3A_125 = tpu.memref_slice %arg4[%dma_start3A_121, %dma_start3A_123, %dma_start3A_124] : memref<2x200x64xf32, #tpu.memory_space<vmem>> -> memref<1x200x64xf32, #tpu.memory_space<vmem>>
          %dma_start3A_126 = tpu.memref_squeeze %dma_start3A_125 : memref<1x200x64xf32, #tpu.memory_space<vmem>> -> memref<200x64xf32, #tpu.memory_space<vmem>>
          %dma_start3A_127 = arith.constant 0 : i32
          %dma_start3A_128 = tpu.memref_slice %arg2[%mul3A_120, %dma_start3A_127] : memref<1000000x64xf32, #tpu.memory_space<hbm>> -> memref<200x64xf32, #tpu.memory_space<hbm>>
          %dma_start3A_129 = tpu.memref_slice %arg6[%dma_start3A_122] : memref<2x!tpu.dma_semaphore, #tpu.memory_space<semaphore_mem>> -> memref<1x!tpu.dma_semaphore, #tpu.memory_space<semaphore_mem>>
          %dma_start3A_130 = tpu.memref_squeeze %dma_start3A_129 : memref<1x!tpu.dma_semaphore, #tpu.memory_space<semaphore_mem>> -> memref<!tpu.dma_semaphore, #tpu.memory_space<semaphore_mem>>
          %dma_start3A_131 = arith.constant 0 : i32
          %dma_start3A_132 = arith.constant 0 : i32
          %dma_start3A_133 = tpu.memref_slice %arg4[%dma_start3A_121, %dma_start3A_131, %dma_start3A_132] : memref<2x200x64xf32, #tpu.memory_space<vmem>> -> memref<1x200x64xf32, #tpu.memory_space<vmem>>
          %dma_start3A_134 = tpu.memref_squeeze %dma_start3A_133 : memref<1x200x64xf32, #tpu.memory_space<vmem>> -> memref<200x64xf32, #tpu.memory_space<vmem>>
          %dma_start3A_135 = arith.constant 0 : i32
          %dma_start3A_136 = tpu.memref_slice %arg2[%mul3A_120, %dma_start3A_135] : memref<1000000x64xf32, #tpu.memory_space<hbm>> -> memref<200x64xf32, #tpu.memory_space<hbm>>
          tpu.enqueue_dma source(%dma_start3A_136 : memref<200x64xf32, #tpu.memory_space<hbm>>) target(%dma_start3A_134 : memref<200x64xf32, #tpu.memory_space<vmem>>) target_semaphore(%dma_start3A_130 : memref<!tpu.dma_semaphore, #tpu.memory_space<semaphore_mem>>)
        } else {
        }
        %ge3A_82 = arith.constant 2 : i32
        %ge3A_83 = arith.cmpi sge, %add3A_53, %ge3A_82 : i32
        %convert_element_type3A_84 = arith.extui %ge3A_83 : i1 to i32
        %cond3A_85 = arith.constant 0 : i32
        %cond3A_86 = arith.cmpi ne, %convert_element_type3A_84, %cond3A_85 : i32
        scf.if %cond3A_86 {
          %dma_wait3A_114 = arith.constant 1 : i32
          %dma_wait3A_115 = arith.constant 1 : i32
          %dma_wait3A_116 = arith.constant 0 : i32
          %dma_wait3A_117 = arith.constant 0 : i32
          %dma_wait3A_118 = tpu.memref_slice %arg5[%dma_wait3A_114, %dma_wait3A_116, %dma_wait3A_117] : memref<2x200x128xf32, #tpu.memory_space<vmem>> -> memref<1x200x128xf32, #tpu.memory_space<vmem>>
          %dma_wait3A_119 = tpu.memref_squeeze %dma_wait3A_118 : memref<1x200x128xf32, #tpu.memory_space<vmem>> -> memref<200x128xf32, #tpu.memory_space<vmem>>
          %dma_wait3A_120 = arith.constant 0 : i32
          %dma_wait3A_121 = arith.constant 0 : i32
          %dma_wait3A_122 = tpu.memref_slice %arg3[%dma_wait3A_120, %dma_wait3A_121] : memref<1000000x128xf32, #tpu.memory_space<hbm>> -> memref<200x128xf32, #tpu.memory_space<hbm>>
          %dma_wait3A_123 = tpu.memref_slice %arg7[%dma_wait3A_115] : memref<2x!tpu.dma_semaphore, #tpu.memory_space<semaphore_mem>> -> memref<1x!tpu.dma_semaphore, #tpu.memory_space<semaphore_mem>>
          %dma_wait3A_124 = tpu.memref_squeeze %dma_wait3A_123 : memref<1x!tpu.dma_semaphore, #tpu.memory_space<semaphore_mem>> -> memref<!tpu.dma_semaphore, #tpu.memory_space<semaphore_mem>>
          %dma_wait3A_125 = arith.constant 0 : i32
          %dma_wait3A_126 = arith.constant 0 : i32
          %dma_wait3A_127 = tpu.memref_slice %arg3[%dma_wait3A_125, %dma_wait3A_126] : memref<1000000x128xf32, #tpu.memory_space<hbm>> -> memref<200x128xf32, #tpu.memory_space<hbm>>
          %dma_wait3A_128 = arith.constant 0 : i32
          %dma_wait3A_129 = arith.constant 0 : i32
          %dma_wait3A_130 = tpu.memref_slice %arg5[%dma_wait3A_114, %dma_wait3A_128, %dma_wait3A_129] : memref<2x200x128xf32, #tpu.memory_space<vmem>> -> memref<1x200x128xf32, #tpu.memory_space<vmem>>
          %dma_wait3A_131 = tpu.memref_squeeze %dma_wait3A_130 : memref<1x200x128xf32, #tpu.memory_space<vmem>> -> memref<200x128xf32, #tpu.memory_space<vmem>>
          tpu.wait_dma2 semaphore(%dma_wait3A_124 : memref<!tpu.dma_semaphore, #tpu.memory_space<semaphore_mem>>) src(%dma_wait3A_131 : memref<200x128xf32, #tpu.memory_space<vmem>>) dst(%dma_wait3A_127 : memref<200x128xf32, #tpu.memory_space<hbm>>)
        } else {
        }
        %scan3A_87 = arith.constant 0 : i32
        %scan3A_88 = arith.constant 0 : i32
        %scan3A_89 = arith.constant 200 : i32
        %scan3A_90 = arith.addi %scan3A_88, %scan3A_89 : i32
        %scan3A_91 = arith.constant 4 : i32
        %scan3A_92 = scf.for %scan3A_114 = %scan3A_88 to %scan3A_90 step %scan3A_91 iter_args(%scan3A_115 = %scan3A_87) -> (i32)  : i32 {
          %get3A = arith.constant 1 : i32
          %get3A_116 = arith.index_cast %get3A : i32 to index
          %get3A_117 = arith.index_cast %scan3A_114 : i32 to index
          %get3A_118 = arith.constant 0 : index
          %get3A_119 = tpu.vector_load %arg4[%get3A_116, %get3A_117, %get3A_118] {strides = array<i32>} : memref<2x200x64xf32, #tpu.memory_space<vmem>>, vector<1x1x16xf32>,
          %get3A_120 = vector.shape_cast %get3A_119 : vector<1x1x16xf32> to vector<16xf32>
          %mul3A_121 = arith.constant 8.000000e+00 : f32
          %mul3A_122 = vector.broadcast %mul3A_121 : f32 to vector<16xf32>
          %mul3A_123 = arith.mulf %get3A_120, %mul3A_122 : vector<16xf32>
          %swap3A = arith.constant 1 : i32
          %swap3A_124 = arith.index_cast %swap3A : i32 to index
          %swap3A_125 = arith.index_cast %scan3A_114 : i32 to index
          %swap3A_126 = arith.constant 0 : index
          %swap3A_127 = tpu.vector_load %arg5[%swap3A_124, %swap3A_125, %swap3A_126] {strides = array<i32>} : memref<2x200x128xf32, #tpu.memory_space<vmem>>, vector<1x1x16xf32>,
          %swap3A_128 = vector.shape_cast %swap3A_127 : vector<1x1x16xf32> to vector<16xf32>
          %swap3A_129 = vector.shape_cast %mul3A_123 : vector<16xf32> to vector<1x1x16xf32>
          tpu.vector_store %arg5[%swap3A_124, %swap3A_125, %swap3A_126], %swap3A_129 {strides = array<i32>} : memref<2x200x128xf32, #tpu.memory_space<vmem>>, vector<1x1x16xf32>,
          %get3A_130 = arith.constant 1 : i32
          %get3A_131 = arith.index_cast %get3A_130 : i32 to index
          %get3A_132 = arith.index_cast %scan3A_114 : i32 to index
          %get3A_133 = arith.constant 16 : index
          %get3A_134 = tpu.vector_load %arg4[%get3A_131, %get3A_132, %get3A_133] {strides = array<i32>} : memref<2x200x64xf32, #tpu.memory_space<vmem>>, vector<1x1x16xf32>,
          %get3A_135 = vector.shape_cast %get3A_134 : vector<1x1x16xf32> to vector<16xf32>
          %mul3A_136 = arith.constant 8.000000e+00 : f32
          %mul3A_137 = vector.broadcast %mul3A_136 : f32 to vector<16xf32>
          %mul3A_138 = arith.mulf %get3A_135, %mul3A_137 : vector<16xf32>
          %swap3A_139 = arith.constant 1 : i32
          %swap3A_140 = arith.index_cast %swap3A_139 : i32 to index
          %swap3A_141 = arith.index_cast %scan3A_114 : i32 to index
          %swap3A_142 = arith.constant 16 : index
          %swap3A_143 = tpu.vector_load %arg5[%swap3A_140, %swap3A_141, %swap3A_142] {strides = array<i32>} : memref<2x200x128xf32, #tpu.memory_space<vmem>>, vector<1x1x16xf32>,
          %swap3A_144 = vector.shape_cast %swap3A_143 : vector<1x1x16xf32> to vector<16xf32>
          %swap3A_145 = vector.shape_cast %mul3A_138 : vector<16xf32> to vector<1x1x16xf32>
          tpu.vector_store %arg5[%swap3A_140, %swap3A_141, %swap3A_142], %swap3A_145 {strides = array<i32>} : memref<2x200x128xf32, #tpu.memory_space<vmem>>, vector<1x1x16xf32>,
          %get3A_146 = arith.constant 1 : i32
          %get3A_147 = arith.index_cast %get3A_146 : i32 to index
          %get3A_148 = arith.index_cast %scan3A_114 : i32 to index
          %get3A_149 = arith.constant 32 : index
          %get3A_150 = tpu.vector_load %arg4[%get3A_147, %get3A_148, %get3A_149] {strides = array<i32>} : memref<2x200x64xf32, #tpu.memory_space<vmem>>, vector<1x1x16xf32>,
          %get3A_151 = vector.shape_cast %get3A_150 : vector<1x1x16xf32> to vector<16xf32>
          %mul3A_152 = arith.constant 8.000000e+00 : f32
          %mul3A_153 = vector.broadcast %mul3A_152 : f32 to vector<16xf32>
          %mul3A_154 = arith.mulf %get3A_151, %mul3A_153 : vector<16xf32>
          %swap3A_155 = arith.constant 1 : i32
          %swap3A_156 = arith.index_cast %swap3A_155 : i32 to index
          %swap3A_157 = arith.index_cast %scan3A_114 : i32 to index
          %swap3A_158 = arith.constant 32 : index
          %swap3A_159 = tpu.vector_load %arg5[%swap3A_156, %swap3A_157, %swap3A_158] {strides = array<i32>} : memref<2x200x128xf32, #tpu.memory_space<vmem>>, vector<1x1x16xf32>,
          %swap3A_160 = vector.shape_cast %swap3A_159 : vector<1x1x16xf32> to vector<16xf32>
          %swap3A_161 = vector.shape_cast %mul3A_154 : vector<16xf32> to vector<1x1x16xf32>
          tpu.vector_store %arg5[%swap3A_156, %swap3A_157, %swap3A_158], %swap3A_161 {strides = array<i32>} : memref<2x200x128xf32, #tpu.memory_space<vmem>>, vector<1x1x16xf32>,
          %get3A_162 = arith.constant 1 : i32
          %get3A_163 = arith.index_cast %get3A_162 : i32 to index
          %get3A_164 = arith.index_cast %scan3A_114 : i32 to index
          %get3A_165 = arith.constant 48 : index
          %get3A_166 = tpu.vector_load %arg4[%get3A_163, %get3A_164, %get3A_165] {strides = array<i32>} : memref<2x200x64xf32, #tpu.memory_space<vmem>>, vector<1x1x16xf32>,
          %get3A_167 = vector.shape_cast %get3A_166 : vector<1x1x16xf32> to vector<16xf32>
          %mul3A_168 = arith.constant 8.000000e+00 : f32
          %mul3A_169 = vector.broadcast %mul3A_168 : f32 to vector<16xf32>
          %mul3A_170 = arith.mulf %get3A_167, %mul3A_169 : vector<16xf32>
          %swap3A_171 = arith.constant 1 : i32
          %swap3A_172 = arith.index_cast %swap3A_171 : i32 to index
          %swap3A_173 = arith.index_cast %scan3A_114 : i32 to index
          %swap3A_174 = arith.constant 48 : index
          %swap3A_175 = tpu.vector_load %arg5[%swap3A_172, %swap3A_173, %swap3A_174] {strides = array<i32>} : memref<2x200x128xf32, #tpu.memory_space<vmem>>, vector<1x1x16xf32>,
          %swap3A_176 = vector.shape_cast %swap3A_175 : vector<1x1x16xf32> to vector<16xf32>
          %swap3A_177 = vector.shape_cast %mul3A_170 : vector<16xf32> to vector<1x1x16xf32>
          tpu.vector_store %arg5[%swap3A_172, %swap3A_173, %swap3A_174], %swap3A_177 {strides = array<i32>} : memref<2x200x128xf32, #tpu.memory_space<vmem>>, vector<1x1x16xf32>,
          %scan3A_178 = arith.constant 0 : i32
          %scan3A_179 = arith.constant 1 : i32
          %scan3A_180 = arith.addi %scan3A_114, %scan3A_179 : i32
          %get3A_181 = arith.constant 1 : i32
          %get3A_182 = arith.index_cast %get3A_181 : i32 to index
          %get3A_183 = arith.index_cast %scan3A_180 : i32 to index
          %get3A_184 = arith.constant 0 : index
          %get3A_185 = tpu.vector_load %arg4[%get3A_182, %get3A_183, %get3A_184] {strides = array<i32>} : memref<2x200x64xf32, #tpu.memory_space<vmem>>, vector<1x1x16xf32>,
          %get3A_186 = vector.shape_cast %get3A_185 : vector<1x1x16xf32> to vector<16xf32>
          %mul3A_187 = arith.constant 8.000000e+00 : f32
          %mul3A_188 = vector.broadcast %mul3A_187 : f32 to vector<16xf32>
          %mul3A_189 = arith.mulf %get3A_186, %mul3A_188 : vector<16xf32>
          %swap3A_190 = arith.constant 1 : i32
          %swap3A_191 = arith.index_cast %swap3A_190 : i32 to index
          %swap3A_192 = arith.index_cast %scan3A_180 : i32 to index
          %swap3A_193 = arith.constant 0 : index
          %swap3A_194 = tpu.vector_load %arg5[%swap3A_191, %swap3A_192, %swap3A_193] {strides = array<i32>} : memref<2x200x128xf32, #tpu.memory_space<vmem>>, vector<1x1x16xf32>,
          %swap3A_195 = vector.shape_cast %swap3A_194 : vector<1x1x16xf32> to vector<16xf32>
          %swap3A_196 = vector.shape_cast %mul3A_189 : vector<16xf32> to vector<1x1x16xf32>
          tpu.vector_store %arg5[%swap3A_191, %swap3A_192, %swap3A_193], %swap3A_196 {strides = array<i32>} : memref<2x200x128xf32, #tpu.memory_space<vmem>>, vector<1x1x16xf32>,
          %get3A_197 = arith.constant 1 : i32
          %get3A_198 = arith.index_cast %get3A_197 : i32 to index
          %get3A_199 = arith.index_cast %scan3A_180 : i32 to index
          %get3A_200 = arith.constant 16 : index
          %get3A_201 = tpu.vector_load %arg4[%get3A_198, %get3A_199, %get3A_200] {strides = array<i32>} : memref<2x200x64xf32, #tpu.memory_space<vmem>>, vector<1x1x16xf32>,
          %get3A_202 = vector.shape_cast %get3A_201 : vector<1x1x16xf32> to vector<16xf32>
          %mul3A_203 = arith.constant 8.000000e+00 : f32
          %mul3A_204 = vector.broadcast %mul3A_203 : f32 to vector<16xf32>
          %mul3A_205 = arith.mulf %get3A_202, %mul3A_204 : vector<16xf32>
          %swap3A_206 = arith.constant 1 : i32
          %swap3A_207 = arith.index_cast %swap3A_206 : i32 to index
          %swap3A_208 = arith.index_cast %scan3A_180 : i32 to index
          %swap3A_209 = arith.constant 16 : index
          %swap3A_210 = tpu.vector_load %arg5[%swap3A_207, %swap3A_208, %swap3A_209] {strides = array<i32>} : memref<2x200x128xf32, #tpu.memory_space<vmem>>, vector<1x1x16xf32>,
          %swap3A_211 = vector.shape_cast %swap3A_210 : vector<1x1x16xf32> to vector<16xf32>
          %swap3A_212 = vector.shape_cast %mul3A_205 : vector<16xf32> to vector<1x1x16xf32>
          tpu.vector_store %arg5[%swap3A_207, %swap3A_208, %swap3A_209], %swap3A_212 {strides = array<i32>} : memref<2x200x128xf32, #tpu.memory_space<vmem>>, vector<1x1x16xf32>,
          %get3A_213 = arith.constant 1 : i32
          %get3A_214 = arith.index_cast %get3A_213 : i32 to index
          %get3A_215 = arith.index_cast %scan3A_180 : i32 to index
          %get3A_216 = arith.constant 32 : index
          %get3A_217 = tpu.vector_load %arg4[%get3A_214, %get3A_215, %get3A_216] {strides = array<i32>} : memref<2x200x64xf32, #tpu.memory_space<vmem>>, vector<1x1x16xf32>,
          %get3A_218 = vector.shape_cast %get3A_217 : vector<1x1x16xf32> to vector<16xf32>
          %mul3A_219 = arith.constant 8.000000e+00 : f32
          %mul3A_220 = vector.broadcast %mul3A_219 : f32 to vector<16xf32>
          %mul3A_221 = arith.mulf %get3A_218, %mul3A_220 : vector<16xf32>
          %swap3A_222 = arith.constant 1 : i32
          %swap3A_223 = arith.index_cast %swap3A_222 : i32 to index
          %swap3A_224 = arith.index_cast %scan3A_180 : i32 to index
          %swap3A_225 = arith.constant 32 : index
          %swap3A_226 = tpu.vector_load %arg5[%swap3A_223, %swap3A_224, %swap3A_225] {strides = array<i32>} : memref<2x200x128xf32, #tpu.memory_space<vmem>>, vector<1x1x16xf32>,
          %swap3A_227 = vector.shape_cast %swap3A_226 : vector<1x1x16xf32> to vector<16xf32>
          %swap3A_228 = vector.shape_cast %mul3A_221 : vector<16xf32> to vector<1x1x16xf32>
          tpu.vector_store %arg5[%swap3A_223, %swap3A_224, %swap3A_225], %swap3A_228 {strides = array<i32>} : memref<2x200x128xf32, #tpu.memory_space<vmem>>, vector<1x1x16xf32>,
          %get3A_229 = arith.constant 1 : i32
          %get3A_230 = arith.index_cast %get3A_229 : i32 to index
          %get3A_231 = arith.index_cast %scan3A_180 : i32 to index
          %get3A_232 = arith.constant 48 : index
          %get3A_233 = tpu.vector_load %arg4[%get3A_230, %get3A_231, %get3A_232] {strides = array<i32>} : memref<2x200x64xf32, #tpu.memory_space<vmem>>, vector<1x1x16xf32>,
          %get3A_234 = vector.shape_cast %get3A_233 : vector<1x1x16xf32> to vector<16xf32>
          %mul3A_235 = arith.constant 8.000000e+00 : f32
          %mul3A_236 = vector.broadcast %mul3A_235 : f32 to vector<16xf32>
          %mul3A_237 = arith.mulf %get3A_234, %mul3A_236 : vector<16xf32>
          %swap3A_238 = arith.constant 1 : i32
          %swap3A_239 = arith.index_cast %swap3A_238 : i32 to index
          %swap3A_240 = arith.index_cast %scan3A_180 : i32 to index
          %swap3A_241 = arith.constant 48 : index
          %swap3A_242 = tpu.vector_load %arg5[%swap3A_239, %swap3A_240, %swap3A_241] {strides = array<i32>} : memref<2x200x128xf32, #tpu.memory_space<vmem>>, vector<1x1x16xf32>,
          %swap3A_243 = vector.shape_cast %swap3A_242 : vector<1x1x16xf32> to vector<16xf32>
          %swap3A_244 = vector.shape_cast %mul3A_237 : vector<16xf32> to vector<1x1x16xf32>
          tpu.vector_store %arg5[%swap3A_239, %swap3A_240, %swap3A_241], %swap3A_244 {strides = array<i32>} : memref<2x200x128xf32, #tpu.memory_space<vmem>>, vector<1x1x16xf32>,
          %scan3A_245 = arith.constant 0 : i32
          %scan3A_246 = arith.constant 2 : i32
          %scan3A_247 = arith.addi %scan3A_114, %scan3A_246 : i32
          %get3A_248 = arith.constant 1 : i32
          %get3A_249 = arith.index_cast %get3A_248 : i32 to index
          %get3A_250 = arith.index_cast %scan3A_247 : i32 to index
          %get3A_251 = arith.constant 0 : index
          %get3A_252 = tpu.vector_load %arg4[%get3A_249, %get3A_250, %get3A_251] {strides = array<i32>} : memref<2x200x64xf32, #tpu.memory_space<vmem>>, vector<1x1x16xf32>,
          %get3A_253 = vector.shape_cast %get3A_252 : vector<1x1x16xf32> to vector<16xf32>
          %mul3A_254 = arith.constant 8.000000e+00 : f32
          %mul3A_255 = vector.broadcast %mul3A_254 : f32 to vector<16xf32>
          %mul3A_256 = arith.mulf %get3A_253, %mul3A_255 : vector<16xf32>
          %swap3A_257 = arith.constant 1 : i32
          %swap3A_258 = arith.index_cast %swap3A_257 : i32 to index
          %swap3A_259 = arith.index_cast %scan3A_247 : i32 to index
          %swap3A_260 = arith.constant 0 : index
          %swap3A_261 = tpu.vector_load %arg5[%swap3A_258, %swap3A_259, %swap3A_260] {strides = array<i32>} : memref<2x200x128xf32, #tpu.memory_space<vmem>>, vector<1x1x16xf32>,
          %swap3A_262 = vector.shape_cast %swap3A_261 : vector<1x1x16xf32> to vector<16xf32>
          %swap3A_263 = vector.shape_cast %mul3A_256 : vector<16xf32> to vector<1x1x16xf32>
          tpu.vector_store %arg5[%swap3A_258, %swap3A_259, %swap3A_260], %swap3A_263 {strides = array<i32>} : memref<2x200x128xf32, #tpu.memory_space<vmem>>, vector<1x1x16xf32>,
          %get3A_264 = arith.constant 1 : i32
          %get3A_265 = arith.index_cast %get3A_264 : i32 to index
          %get3A_266 = arith.index_cast %scan3A_247 : i32 to index
          %get3A_267 = arith.constant 16 : index
          %get3A_268 = tpu.vector_load %arg4[%get3A_265, %get3A_266, %get3A_267] {strides = array<i32>} : memref<2x200x64xf32, #tpu.memory_space<vmem>>, vector<1x1x16xf32>,
          %get3A_269 = vector.shape_cast %get3A_268 : vector<1x1x16xf32> to vector<16xf32>
          %mul3A_270 = arith.constant 8.000000e+00 : f32
          %mul3A_271 = vector.broadcast %mul3A_270 : f32 to vector<16xf32>
          %mul3A_272 = arith.mulf %get3A_269, %mul3A_271 : vector<16xf32>
          %swap3A_273 = arith.constant 1 : i32
          %swap3A_274 = arith.index_cast %swap3A_273 : i32 to index
          %swap3A_275 = arith.index_cast %scan3A_247 : i32 to index
          %swap3A_276 = arith.constant 16 : index
          %swap3A_277 = tpu.vector_load %arg5[%swap3A_274, %swap3A_275, %swap3A_276] {strides = array<i32>} : memref<2x200x128xf32, #tpu.memory_space<vmem>>, vector<1x1x16xf32>,
          %swap3A_278 = vector.shape_cast %swap3A_277 : vector<1x1x16xf32> to vector<16xf32>
          %swap3A_279 = vector.shape_cast %mul3A_272 : vector<16xf32> to vector<1x1x16xf32>
          tpu.vector_store %arg5[%swap3A_274, %swap3A_275, %swap3A_276], %swap3A_279 {strides = array<i32>} : memref<2x200x128xf32, #tpu.memory_space<vmem>>, vector<1x1x16xf32>,
          %get3A_280 = arith.constant 1 : i32
          %get3A_281 = arith.index_cast %get3A_280 : i32 to index
          %get3A_282 = arith.index_cast %scan3A_247 : i32 to index
          %get3A_283 = arith.constant 32 : index
          %get3A_284 = tpu.vector_load %arg4[%get3A_281, %get3A_282, %get3A_283] {strides = array<i32>} : memref<2x200x64xf32, #tpu.memory_space<vmem>>, vector<1x1x16xf32>,
          %get3A_285 = vector.shape_cast %get3A_284 : vector<1x1x16xf32> to vector<16xf32>
          %mul3A_286 = arith.constant 8.000000e+00 : f32
          %mul3A_287 = vector.broadcast %mul3A_286 : f32 to vector<16xf32>
          %mul3A_288 = arith.mulf %get3A_285, %mul3A_287 : vector<16xf32>
          %swap3A_289 = arith.constant 1 : i32
          %swap3A_290 = arith.index_cast %swap3A_289 : i32 to index
          %swap3A_291 = arith.index_cast %scan3A_247 : i32 to index
          %swap3A_292 = arith.constant 32 : index
          %swap3A_293 = tpu.vector_load %arg5[%swap3A_290, %swap3A_291, %swap3A_292] {strides = array<i32>} : memref<2x200x128xf32, #tpu.memory_space<vmem>>, vector<1x1x16xf32>,
          %swap3A_294 = vector.shape_cast %swap3A_293 : vector<1x1x16xf32> to vector<16xf32>
          %swap3A_295 = vector.shape_cast %mul3A_288 : vector<16xf32> to vector<1x1x16xf32>
          tpu.vector_store %arg5[%swap3A_290, %swap3A_291, %swap3A_292], %swap3A_295 {strides = array<i32>} : memref<2x200x128xf32, #tpu.memory_space<vmem>>, vector<1x1x16xf32>,
          %get3A_296 = arith.constant 1 : i32
          %get3A_297 = arith.index_cast %get3A_296 : i32 to index
          %get3A_298 = arith.index_cast %scan3A_247 : i32 to index
          %get3A_299 = arith.constant 48 : index
          %get3A_300 = tpu.vector_load %arg4[%get3A_297, %get3A_298, %get3A_299] {strides = array<i32>} : memref<2x200x64xf32, #tpu.memory_space<vmem>>, vector<1x1x16xf32>,
          %get3A_301 = vector.shape_cast %get3A_300 : vector<1x1x16xf32> to vector<16xf32>
          %mul3A_302 = arith.constant 8.000000e+00 : f32
          %mul3A_303 = vector.broadcast %mul3A_302 : f32 to vector<16xf32>
          %mul3A_304 = arith.mulf %get3A_301, %mul3A_303 : vector<16xf32>
          %swap3A_305 = arith.constant 1 : i32
          %swap3A_306 = arith.index_cast %swap3A_305 : i32 to index
          %swap3A_307 = arith.index_cast %scan3A_247 : i32 to index
          %swap3A_308 = arith.constant 48 : index
          %swap3A_309 = tpu.vector_load %arg5[%swap3A_306, %swap3A_307, %swap3A_308] {strides = array<i32>} : memref<2x200x128xf32, #tpu.memory_space<vmem>>, vector<1x1x16xf32>,
          %swap3A_310 = vector.shape_cast %swap3A_309 : vector<1x1x16xf32> to vector<16xf32>
          %swap3A_311 = vector.shape_cast %mul3A_304 : vector<16xf32> to vector<1x1x16xf32>
          tpu.vector_store %arg5[%swap3A_306, %swap3A_307, %swap3A_308], %swap3A_311 {strides = array<i32>} : memref<2x200x128xf32, #tpu.memory_space<vmem>>, vector<1x1x16xf32>,
          %scan3A_312 = arith.constant 0 : i32
          %scan3A_313 = arith.constant 3 : i32
          %scan3A_314 = arith.addi %scan3A_114, %scan3A_313 : i32
          %get3A_315 = arith.constant 1 : i32
          %get3A_316 = arith.index_cast %get3A_315 : i32 to index
          %get3A_317 = arith.index_cast %scan3A_314 : i32 to index
          %get3A_318 = arith.constant 0 : index
          %get3A_319 = tpu.vector_load %arg4[%get3A_316, %get3A_317, %get3A_318] {strides = array<i32>} : memref<2x200x64xf32, #tpu.memory_space<vmem>>, vector<1x1x16xf32>,
          %get3A_320 = vector.shape_cast %get3A_319 : vector<1x1x16xf32> to vector<16xf32>
          %mul3A_321 = arith.constant 8.000000e+00 : f32
          %mul3A_322 = vector.broadcast %mul3A_321 : f32 to vector<16xf32>
          %mul3A_323 = arith.mulf %get3A_320, %mul3A_322 : vector<16xf32>
          %swap3A_324 = arith.constant 1 : i32
          %swap3A_325 = arith.index_cast %swap3A_324 : i32 to index
          %swap3A_326 = arith.index_cast %scan3A_314 : i32 to index
          %swap3A_327 = arith.constant 0 : index
          %swap3A_328 = tpu.vector_load %arg5[%swap3A_325, %swap3A_326, %swap3A_327] {strides = array<i32>} : memref<2x200x128xf32, #tpu.memory_space<vmem>>, vector<1x1x16xf32>,
          %swap3A_329 = vector.shape_cast %swap3A_328 : vector<1x1x16xf32> to vector<16xf32>
          %swap3A_330 = vector.shape_cast %mul3A_323 : vector<16xf32> to vector<1x1x16xf32>
          tpu.vector_store %arg5[%swap3A_325, %swap3A_326, %swap3A_327], %swap3A_330 {strides = array<i32>} : memref<2x200x128xf32, #tpu.memory_space<vmem>>, vector<1x1x16xf32>,
          %get3A_331 = arith.constant 1 : i32
          %get3A_332 = arith.index_cast %get3A_331 : i32 to index
          %get3A_333 = arith.index_cast %scan3A_314 : i32 to index
          %get3A_334 = arith.constant 16 : index
          %get3A_335 = tpu.vector_load %arg4[%get3A_332, %get3A_333, %get3A_334] {strides = array<i32>} : memref<2x200x64xf32, #tpu.memory_space<vmem>>, vector<1x1x16xf32>,
          %get3A_336 = vector.shape_cast %get3A_335 : vector<1x1x16xf32> to vector<16xf32>
          %mul3A_337 = arith.constant 8.000000e+00 : f32
          %mul3A_338 = vector.broadcast %mul3A_337 : f32 to vector<16xf32>
          %mul3A_339 = arith.mulf %get3A_336, %mul3A_338 : vector<16xf32>
          %swap3A_340 = arith.constant 1 : i32
          %swap3A_341 = arith.index_cast %swap3A_340 : i32 to index
          %swap3A_342 = arith.index_cast %scan3A_314 : i32 to index
          %swap3A_343 = arith.constant 16 : index
          %swap3A_344 = tpu.vector_load %arg5[%swap3A_341, %swap3A_342, %swap3A_343] {strides = array<i32>} : memref<2x200x128xf32, #tpu.memory_space<vmem>>, vector<1x1x16xf32>,
          %swap3A_345 = vector.shape_cast %swap3A_344 : vector<1x1x16xf32> to vector<16xf32>
          %swap3A_346 = vector.shape_cast %mul3A_339 : vector<16xf32> to vector<1x1x16xf32>
          tpu.vector_store %arg5[%swap3A_341, %swap3A_342, %swap3A_343], %swap3A_346 {strides = array<i32>} : memref<2x200x128xf32, #tpu.memory_space<vmem>>, vector<1x1x16xf32>,
          %get3A_347 = arith.constant 1 : i32
          %get3A_348 = arith.index_cast %get3A_347 : i32 to index
          %get3A_349 = arith.index_cast %scan3A_314 : i32 to index
          %get3A_350 = arith.constant 32 : index
          %get3A_351 = tpu.vector_load %arg4[%get3A_348, %get3A_349, %get3A_350] {strides = array<i32>} : memref<2x200x64xf32, #tpu.memory_space<vmem>>, vector<1x1x16xf32>,
          %get3A_352 = vector.shape_cast %get3A_351 : vector<1x1x16xf32> to vector<16xf32>
          %mul3A_353 = arith.constant 8.000000e+00 : f32
          %mul3A_354 = vector.broadcast %mul3A_353 : f32 to vector<16xf32>
          %mul3A_355 = arith.mulf %get3A_352, %mul3A_354 : vector<16xf32>
          %swap3A_356 = arith.constant 1 : i32
          %swap3A_357 = arith.index_cast %swap3A_356 : i32 to index
          %swap3A_358 = arith.index_cast %scan3A_314 : i32 to index
          %swap3A_359 = arith.constant 32 : index
          %swap3A_360 = tpu.vector_load %arg5[%swap3A_357, %swap3A_358, %swap3A_359] {strides = array<i32>} : memref<2x200x128xf32, #tpu.memory_space<vmem>>, vector<1x1x16xf32>,
          %swap3A_361 = vector.shape_cast %swap3A_360 : vector<1x1x16xf32> to vector<16xf32>
          %swap3A_362 = vector.shape_cast %mul3A_355 : vector<16xf32> to vector<1x1x16xf32>
          tpu.vector_store %arg5[%swap3A_357, %swap3A_358, %swap3A_359], %swap3A_362 {strides = array<i32>} : memref<2x200x128xf32, #tpu.memory_space<vmem>>, vector<1x1x16xf32>,
          %get3A_363 = arith.constant 1 : i32
          %get3A_364 = arith.index_cast %get3A_363 : i32 to index
          %get3A_365 = arith.index_cast %scan3A_314 : i32 to index
          %get3A_366 = arith.constant 48 : index
          %get3A_367 = tpu.vector_load %arg4[%get3A_364, %get3A_365, %get3A_366] {strides = array<i32>} : memref<2x200x64xf32, #tpu.memory_space<vmem>>, vector<1x1x16xf32>,
          %get3A_368 = vector.shape_cast %get3A_367 : vector<1x1x16xf32> to vector<16xf32>
          %mul3A_369 = arith.constant 8.000000e+00 : f32
          %mul3A_370 = vector.broadcast %mul3A_369 : f32 to vector<16xf32>
          %mul3A_371 = arith.mulf %get3A_368, %mul3A_370 : vector<16xf32>
          %swap3A_372 = arith.constant 1 : i32
          %swap3A_373 = arith.index_cast %swap3A_372 : i32 to index
          %swap3A_374 = arith.index_cast %scan3A_314 : i32 to index
          %swap3A_375 = arith.constant 48 : index
          %swap3A_376 = tpu.vector_load %arg5[%swap3A_373, %swap3A_374, %swap3A_375] {strides = array<i32>} : memref<2x200x128xf32, #tpu.memory_space<vmem>>, vector<1x1x16xf32>,
          %swap3A_377 = vector.shape_cast %swap3A_376 : vector<1x1x16xf32> to vector<16xf32>
          %swap3A_378 = vector.shape_cast %mul3A_371 : vector<16xf32> to vector<1x1x16xf32>
          tpu.vector_store %arg5[%swap3A_373, %swap3A_374, %swap3A_375], %swap3A_378 {strides = array<i32>} : memref<2x200x128xf32, #tpu.memory_space<vmem>>, vector<1x1x16xf32>,
          %scan3A_379 = arith.constant 0 : i32
          scf.yield %scan3A_379 : i32
        }
        %scan3A_93 = arith.constant 200 : i32
        %mul3A_94 = arith.constant 32 : i32
        %mul3A_95 = arith.muli %add3A_53, %mul3A_94 : i32
        %add3A_96 = arith.addi %mul3A_95, %add3A : i32
        %mul3A_97 = arith.constant 200 : i32
        %mul3A_98 = arith.muli %add3A_96, %mul3A_97 : i32
        %dma_start3A = arith.constant 1 : i32
        %dma_start3A_99 = arith.constant 1 : i32
        %dma_start3A_100 = arith.constant 0 : i32
        %dma_start3A_101 = arith.constant 0 : i32
        %dma_start3A_102 = tpu.memref_slice %arg5[%dma_start3A, %dma_start3A_100, %dma_start3A_101] : memref<2x200x128xf32, #tpu.memory_space<vmem>> -> memref<1x200x128xf32, #tpu.memory_space<vmem>>
        %dma_start3A_103 = tpu.memref_squeeze %dma_start3A_102 : memref<1x200x128xf32, #tpu.memory_space<vmem>> -> memref<200x128xf32, #tpu.memory_space<vmem>>
        %dma_start3A_104 = arith.constant 0 : i32
        %dma_start3A_105 = tpu.memref_slice %arg3[%mul3A_98, %dma_start3A_104] : memref<1000000x128xf32, #tpu.memory_space<hbm>> -> memref<200x128xf32, #tpu.memory_space<hbm>>
        %dma_start3A_106 = tpu.memref_slice %arg7[%dma_start3A_99] : memref<2x!tpu.dma_semaphore, #tpu.memory_space<semaphore_mem>> -> memref<1x!tpu.dma_semaphore, #tpu.memory_space<semaphore_mem>>
        %dma_start3A_107 = tpu.memref_squeeze %dma_start3A_106 : memref<1x!tpu.dma_semaphore, #tpu.memory_space<semaphore_mem>> -> memref<!tpu.dma_semaphore, #tpu.memory_space<semaphore_mem>>
        %dma_start3A_108 = arith.constant 0 : i32
        %dma_start3A_109 = tpu.memref_slice %arg3[%mul3A_98, %dma_start3A_108] : memref<1000000x128xf32, #tpu.memory_space<hbm>> -> memref<200x128xf32, #tpu.memory_space<hbm>>
        %dma_start3A_110 = arith.constant 0 : i32
        %dma_start3A_111 = arith.constant 0 : i32
        %dma_start3A_112 = tpu.memref_slice %arg5[%dma_start3A, %dma_start3A_110, %dma_start3A_111] : memref<2x200x128xf32, #tpu.memory_space<vmem>> -> memref<1x200x128xf32, #tpu.memory_space<vmem>>
        %dma_start3A_113 = tpu.memref_squeeze %dma_start3A_112 : memref<1x200x128xf32, #tpu.memory_space<vmem>> -> memref<200x128xf32, #tpu.memory_space<vmem>>
        tpu.enqueue_dma source(%dma_start3A_113 : memref<200x128xf32, #tpu.memory_space<vmem>>) target(%dma_start3A_109 : memref<200x128xf32, #tpu.memory_space<hbm>>) target_semaphore(%dma_start3A_107 : memref<!tpu.dma_semaphore, #tpu.memory_space<semaphore_mem>>)
      } else {
      }
      %scan3A_58 = arith.constant 0 : i32
      scf.yield %scan3A_58 : i32
    }
    %scan3A_30 = arith.constant 79 : i32
    %ge3A_31 = arith.constant 1 : i32
    %ge3A_32 = arith.cmpi sge, %select_n3A, %ge3A_31 : i32
    %convert_element_type3A_33 = arith.extui %ge3A_32 : i1 to i32
    %cond3A_34 = arith.constant 0 : i32
    %cond3A_35 = arith.cmpi ne, %convert_element_type3A_33, %cond3A_34 : i32
    scf.if %cond3A_35 {
      %dma_wait3A = arith.constant 0 : i32
      %dma_wait3A_41 = arith.constant 0 : i32
      %dma_wait3A_42 = arith.constant 0 : i32
      %dma_wait3A_43 = arith.constant 0 : i32
      %dma_wait3A_44 = tpu.memref_slice %arg5[%dma_wait3A, %dma_wait3A_42, %dma_wait3A_43] : memref<2x200x128xf32, #tpu.memory_space<vmem>> -> memref<1x200x128xf32, #tpu.memory_space<vmem>>
      %dma_wait3A_45 = tpu.memref_squeeze %dma_wait3A_44 : memref<1x200x128xf32, #tpu.memory_space<vmem>> -> memref<200x128xf32, #tpu.memory_space<vmem>>
      %dma_wait3A_46 = arith.constant 0 : i32
      %dma_wait3A_47 = arith.constant 0 : i32
      %dma_wait3A_48 = tpu.memref_slice %arg3[%dma_wait3A_46, %dma_wait3A_47] : memref<1000000x128xf32, #tpu.memory_space<hbm>> -> memref<200x128xf32, #tpu.memory_space<hbm>>
      %dma_wait3A_49 = tpu.memref_slice %arg7[%dma_wait3A_41] : memref<2x!tpu.dma_semaphore, #tpu.memory_space<semaphore_mem>> -> memref<1x!tpu.dma_semaphore, #tpu.memory_space<semaphore_mem>>
      %dma_wait3A_50 = tpu.memref_squeeze %dma_wait3A_49 : memref<1x!tpu.dma_semaphore, #tpu.memory_space<semaphore_mem>> -> memref<!tpu.dma_semaphore, #tpu.memory_space<semaphore_mem>>
      %dma_wait3A_51 = arith.constant 0 : i32
      %dma_wait3A_52 = arith.constant 0 : i32
      %dma_wait3A_53 = tpu.memref_slice %arg3[%dma_wait3A_51, %dma_wait3A_52] : memref<1000000x128xf32, #tpu.memory_space<hbm>> -> memref<200x128xf32, #tpu.memory_space<hbm>>
      %dma_wait3A_54 = arith.constant 0 : i32
      %dma_wait3A_55 = arith.constant 0 : i32
      %dma_wait3A_56 = tpu.memref_slice %arg5[%dma_wait3A, %dma_wait3A_54, %dma_wait3A_55] : memref<2x200x128xf32, #tpu.memory_space<vmem>> -> memref<1x200x128xf32, #tpu.memory_space<vmem>>
      %dma_wait3A_57 = tpu.memref_squeeze %dma_wait3A_56 : memref<1x200x128xf32, #tpu.memory_space<vmem>> -> memref<200x128xf32, #tpu.memory_space<vmem>>
      tpu.wait_dma2 semaphore(%dma_wait3A_50 : memref<!tpu.dma_semaphore, #tpu.memory_space<semaphore_mem>>) src(%dma_wait3A_57 : memref<200x128xf32, #tpu.memory_space<vmem>>) dst(%dma_wait3A_53 : memref<200x128xf32, #tpu.memory_space<hbm>>)
    } else {
    }
    %ge3A_36 = arith.constant 2 : i32
    %ge3A_37 = arith.cmpi sge, %select_n3A, %ge3A_36 : i32
    %convert_element_type3A_38 = arith.extui %ge3A_37 : i1 to i32
    %cond3A_39 = arith.constant 0 : i32
    %cond3A_40 = arith.cmpi ne, %convert_element_type3A_38, %cond3A_39 : i32
    scf.if %cond3A_40 {
      %dma_wait3A = arith.constant 1 : i32
      %dma_wait3A_41 = arith.constant 1 : i32
      %dma_wait3A_42 = arith.constant 0 : i32
      %dma_wait3A_43 = arith.constant 0 : i32
      %dma_wait3A_44 = tpu.memref_slice %arg5[%dma_wait3A, %dma_wait3A_42, %dma_wait3A_43] : memref<2x200x128xf32, #tpu.memory_space<vmem>> -> memref<1x200x128xf32, #tpu.memory_space<vmem>>
      %dma_wait3A_45 = tpu.memref_squeeze %dma_wait3A_44 : memref<1x200x128xf32, #tpu.memory_space<vmem>> -> memref<200x128xf32, #tpu.memory_space<vmem>>
      %dma_wait3A_46 = arith.constant 0 : i32
      %dma_wait3A_47 = arith.constant 0 : i32
      %dma_wait3A_48 = tpu.memref_slice %arg3[%dma_wait3A_46, %dma_wait3A_47] : memref<1000000x128xf32, #tpu.memory_space<hbm>> -> memref<200x128xf32, #tpu.memory_space<hbm>>
      %dma_wait3A_49 = tpu.memref_slice %arg7[%dma_wait3A_41] : memref<2x!tpu.dma_semaphore, #tpu.memory_space<semaphore_mem>> -> memref<1x!tpu.dma_semaphore, #tpu.memory_space<semaphore_mem>>
      %dma_wait3A_50 = tpu.memref_squeeze %dma_wait3A_49 : memref<1x!tpu.dma_semaphore, #tpu.memory_space<semaphore_mem>> -> memref<!tpu.dma_semaphore, #tpu.memory_space<semaphore_mem>>
      %dma_wait3A_51 = arith.constant 0 : i32
      %dma_wait3A_52 = arith.constant 0 : i32
      %dma_wait3A_53 = tpu.memref_slice %arg3[%dma_wait3A_51, %dma_wait3A_52] : memref<1000000x128xf32, #tpu.memory_space<hbm>> -> memref<200x128xf32, #tpu.memory_space<hbm>>
      %dma_wait3A_54 = arith.constant 0 : i32
      %dma_wait3A_55 = arith.constant 0 : i32
      %dma_wait3A_56 = tpu.memref_slice %arg5[%dma_wait3A, %dma_wait3A_54, %dma_wait3A_55] : memref<2x200x128xf32, #tpu.memory_space<vmem>> -> memref<1x200x128xf32, #tpu.memory_space<vmem>>
      %dma_wait3A_57 = tpu.memref_squeeze %dma_wait3A_56 : memref<1x200x128xf32, #tpu.memory_space<vmem>> -> memref<200x128xf32, #tpu.memory_space<vmem>>
      tpu.wait_dma2 semaphore(%dma_wait3A_50 : memref<!tpu.dma_semaphore, #tpu.memory_space<semaphore_mem>>) src(%dma_wait3A_57 : memref<200x128xf32, #tpu.memory_space<vmem>>) dst(%dma_wait3A_53 : memref<200x128xf32, #tpu.memory_space<hbm>>)
    } else {
    }
    return
  }
}

</mosaic_0001>

<sc_bundles>
// kernel: _pack.3.cloned.1.call-start
scs
__scs_entry_jumppad:
0x0: {  	(pc) =	sbr.rel $0x88, $3  }
0x1: {  	(tag) =	ssettag $0x0;
	lr =	simm.s32 $0x1  }
0x2: {  	[smem:$0x3FA0] =	sst lr;
	_ =	strace $0xD0000000  }
0x3: {  	_ = 	snop  }
0x4: {  	_ = 	snop  }
0x5: {  	_ = 	snop  }
0x6: {  	_ = 	snop  }
0x7: {  	_ = 	snop  }
__scs_overlays_trampoline_lowered:
0x8: {  	[smem:$0x3FAF] =	sst s0  }
0x9: {  	[smem:$0x3FB0] =	sst s1  }
0xa: {  	[smem:$0x3FB1] =	sst s2  }
0xb: {  	[smem:$0x3FB2] =	sst s3  }
0xc: {  	[smem:$0x3FB3] =	sst s4  }
0xd: {  	[smem:$0x3FB4] =	sst s5  }
0xe: {  	[smem:$0x3FB5] =	sst s6  }
0xf: {  	[smem:$0x3FB6] =	sst s7  }
0x10: {  	[smem:$0x3FB7] =	sst s8  }
0x11: {  	[smem:$0x3FB8] =	sst s9;
	s0 =	simm.s32 @!p0 $0x0  }
0x12: {  	s1 =	sld [smem:$0x3F9E];
	s0 =	simm.s32 @p0 $0x1  }
0x13: {  	[smem:$0x3FB9] =	sst s0;
	s0 =	simm.s32 @!p1 $0x0  }
0x14: {  	s2 =	sld [smem:$0x3F9D];
	s0 =	simm.s32 @p1 $0x1  }
0x15: {  	[smem:$0x3FBA] =	sst s0;
	s0 =	simm.s32 @!p2 $0x0  }
0x16: {  	s3 =	sld [smem:$0x3FDB];
	s0 =	simm.s32 @p2 $0x1  }
0x17: {  	s4 =	simm.s32 $0x1BF5;
	[smem:$0x3FBC] =	sst s0  }
0x18: {  	s0 =	sld [smem:$0x3F9F];
	_ =	swait.ge [sflag:s4], $0x0  }
0x19: {  	s7 =	sld [smem:$0x3FA0]  }
0x1a: {  	s8 =	sadd.s32 $0xFFFFE003, lr  }
0x1b: {  	s9 =	sadd.s32 $0xFFFFFEF7, lr;
	s5 =	simm.s32 $0xFFFFFFFF;
	p2 =	slt.u32 s8, $0xFFFFF086  }
0x1c: {  	p1 =	slt.u32 s9, $0xF7A;
	s5 =	simm.s32 @!p2 $0x0  }
0x1d: {  	s5 =	simm.s32 @p1 $0x1;
	p0 =	seq.s32 s7, s2  }
0x1e: {  	s7 =	smul.u32 @!p0 $0xF7A, s2;
	p2 =	seq.s32 @!p0 s5, $0x0  }
0x1f: {  	s9 =	smul.u32 $0xF7A, s1;
	s8 =	simm.s32 @!p0 $0x1BF5;
	p2 =	por !p2, p0  }
0x20: {  	[sflag:s8] =	ssyncset.s32 @!p0 $0xFFFFF086;
	s6 =	sadd.s32 @!p0 s3, s7;
	s7 =	simm.s32 @!p0 $0x108  }
0x21: {  	s3 =	sadd.s32 s3, s9;
	s6 =	sadd.s32 @!p0 $0x88, s6;
	s7 =	simm.s32 @p2 $0x1082  }
0x22: {  	[simem:s7], [sflag:s8] =	dma.local @!p0 [hbm:s6], $0xF7A  }
0x23: {  	s9 =	sor.u32 $0xD0000000, s2;
	s6 =	simm.s32 $0x108;
	_ =	swait.ge @!p0 [sflag:s8], $0x0  }
0x24: {  	s3 =	sadd.s32 $0x88, s3;
	s6 =	simm.s32 @!p1 $0x1082;
	[sflag:s4] =	ssyncset.s32 $0xFFFFF086  }
0x25: {  	[simem:s6], [sflag:s4] =	dma.local [hbm:s3], $0xF7A  }
0x26: {  	[smem:$0x3FA0] =	sst s1;
	(tag) =	ssettag s2;
	_ =	strace s9  }
0x27: {  	s1 =	sld [smem:$0x3FB0]  }
0x28: {  	s2 =	sld [smem:$0x3FB1]  }
0x29: {  	s4 =	sld [smem:$0x3FB3]  }
0x2a: {  	p0 =	seq.s32 s5, $0x0;
	s5 =	sld [smem:$0x3FB4]  }
0x2b: {  	s6 =	sld [smem:$0x3FB5]  }
0x2c: {  	s7 =	sld [smem:$0x3FB6]  }
0x2d: {  	s3 =	simm.s32 $0x108;
	s8 =	sld [smem:$0x3FB7]  }
0x2e: {  	s3 =	simm.s32 @!p0 $0x1082;
	s9 =	sld [smem:$0x3FB8]  }
0x2f: {  	lr =	sadd.s32 s0, s3;
	s0 =	sld [smem:$0x3FAF]  }
0x30: {  	s3 =	sld [smem:$0x3FB2]  }
0x31: {  	[smem:$0x3FBB] =	sst s10  }
0x32: {  	s10 =	sld [smem:$0x3FB9];
	_ =	sdelay $0x3  }
0x33: {  	p0 =	seq.s32 s10, $0x1;
	s10 =	sld [smem:$0x3FBB];
	_ =	sdelay $0x3  }
0x34: {  	[smem:$0x3FBB] =	sst s10  }
0x35: {  	s10 =	sld [smem:$0x3FBA];
	_ =	sdelay $0x3  }
0x36: {  	p1 =	seq.s32 s10, $0x1;
	s10 =	sld [smem:$0x3FBB];
	_ =	sdelay $0x3  }
0x37: {  	[smem:$0x3FBB] =	sst s10  }
0x38: {  	s10 =	sld [smem:$0x3FBC]  }
0x39: {  	_ = 	snop;
	(pc) =	sbr.ind lr, $3  }
0x3a: {  	_ = 	snop  }
0x3b: {  	_ = 	snop  }
0x3c: {  	p2 =	seq.s32 s10, $0x1;
	s10 =	sld [smem:$0x3FBB]  }
0x3d: {  	_ =	shalt  }
0x3e: {  	_ =	shalt  }
0x3f: {  	_ =	shalt  }
0x40: {  	_ =	shalt  }
0x41: {  	_ =	shalt  }
0x42: {  	_ =	shalt  }
0x43: {  	_ =	shalt  }
0x44: {  	_ =	shalt  }
0x45: {  	_ =	shalt  }
0x46: {  	_ =	shalt  }
0x47: {  	_ =	shalt  }
0x48: {  	_ =	shalt  }
0x49: {  	_ =	shalt  }
0x4a: {  	_ =	shalt  }
0x4b: {  	_ =	shalt  }
0x4c: {  	_ =	shalt  }
0x4d: {  	_ =	shalt  }
0x4e: {  	_ =	shalt  }
0x4f: {  	_ =	shalt  }
0x50: {  	_ =	shalt  }
0x51: {  	_ =	shalt  }
0x52: {  	_ =	shalt  }
0x53: {  	_ =	shalt  }
0x54: {  	_ =	shalt  }
0x55: {  	_ =	shalt  }
0x56: {  	_ =	shalt  }
0x57: {  	_ =	shalt  }
0x58: {  	_ =	shalt  }
0x59: {  	_ =	shalt  }
0x5a: {  	_ =	shalt  }
0x5b: {  	_ =	shalt  }
0x5c: {  	_ =	shalt  }
0x5d: {  	_ =	shalt  }
0x5e: {  	_ =	shalt  }
0x5f: {  	_ =	shalt  }
0x60: {  	_ =	shalt  }
0x61: {  	_ =	shalt  }
0x62: {  	_ =	shalt  }
0x63: {  	_ =	shalt  }
0x64: {  	_ =	shalt  }
0x65: {  	_ =	shalt  }
0x66: {  	_ =	shalt  }
0x67: {  	_ =	shalt  }
0x68: {  	_ =	shalt  }
0x69: {  	_ =	shalt  }
0x6a: {  	_ =	shalt  }
0x6b: {  	_ =	shalt  }
0x6c: {  	_ =	shalt  }
0x6d: {  	_ =	shalt  }
0x6e: {  	_ =	shalt  }
0x6f: {  	_ =	shalt  }
0x70: {  	_ =	shalt  }
0x71: {  	_ =	shalt  }
0x72: {  	_ =	shalt  }
0x73: {  	_ =	shalt  }
0x74: {  	_ =	shalt  }
0x75: {  	_ =	shalt  }
0x76: {  	_ =	shalt  }
0x77: {  	_ =	shalt  }
0x78: {  	_ =	shalt  }
0x79: {  	_ =	shalt  }
0x7a: {  	_ =	shalt  }
0x7b: {  	_ =	shalt  }
0x7c: {  	_ =	shalt  }
0x7d: {  	_ =	shalt  }
0x7e: {  	_ =	shalt  }
0x7f: {  	_ =	shalt  }
0x80: {  	_ =	shalt  }
0x81: {  	_ =	shalt  }
0x82: {  	_ =	shalt  }
0x83: {  	_ =	shalt  }
0x84: {  	_ =	shalt  }
0x85: {  	_ =	shalt  }
0x86: {  	_ =	shalt  }
0x87: {  	_ =	shalt  }
.Lfunc_end0:
.L_simem_size_0:
called_computation_lowered:
.L_overlay_start_0:
0x88: {  	s2 =	sld [smem:$0x3FD9]  }
0x89: {  	s3 =	sld [smem:$0x3FFE];
	_ =	sdelay $0x1  }
0x8a: {  	s1 =	srdreg.scid  }
0x8b: {  	s0 =	sand.u32 $0x1, s1  }
0x8c: {  	s17 =	sshll.u32 s0, $0xA;
	s2 =	sadd.s32 s3, s2  }
0x8d: {  	s2 =	sadd.s32 s2, s17  }
0x8e: {  	[smem:$0x3FC7] =	sst s2  }
0x8f: {  	_ = 	snop  }
0x90: {  	s2 =	sld [smem:$0x3FD0];
	(tm) =	ssettm $0x1  }
0x91: {  	s18 =	sld [smem:$0x3FFB];
	_ =	sdelay $0x3  }
0x92: {  	_ =	strace s18  }
0x93: {  	s3 =	sld [smem:$0x3FFC];
	_ =	sdelay $0x3  }
0x94: {  	_ =	strace s3  }
0x95: {  	s3 =	sld [smem:$0x3FFD];
	_ =	sdelay $0x3  }
0x96: {  	_ =	strace s3  }
0x97: {  	_ =	strace $0x8FFFFFFF  }
0x98: {  	s19 =	sld [smem:$0x3FDB];
	_ =	sdelay $0x1  }
0x99: {  	s4 =	simm.s32 $_scs_section_size  }
0x9a: {  	s5 =	simm.s32 $_size__tile_overlayer_lowered;
	s6 =	simm.s32 $_tile_overlayer_lowered  }
0x9b: {  	s22 =	simm.s32 $0x1BFF;
	s21 =	sshll.u32 s6, $0x1;
	s3 =	sadd.s32 s4, s19  }
0x9c: {  	s7 =	simm.s32 $0x0;
	s20 =	sshll.u32 s5, $0x1;
	s5 =	sadd.s32 s21, s3  }
0x9d: {  	[timem:s7], [sflag:s22] =	dma.local [hbm:s5], s20  }
0x9e: {  	_ =	swait.ge [sflag:s22], s20  }
0x9f: {  	s4 =	ssub.s32 $0x0, s20;
	[sflag:s22] =	ssyncset.done $0x0  }
0xa0: {  	[sflag:s22] =	ssyncadd.s32 s4;
	_ =	sdelay $0x1  }
0xa1: {  	s23 =	simm.s32 $0x1B8B  }
0xa2: {  	_ =	swait.ge [sflag:s23], $0x1  }
0xa3: {  	[sflag:s23] =	ssyncset.done $0x0  }
0xa4: {  	s25 =	simm.s32 $0x1B8E;
	s24 =	sld [smem:$0x3FFE];
	[sflag:s23] =	ssyncadd.s32 $0xFFFFFFFF  }
0xa5: {  	s26 =	simm.s32 $execute0_lowered;
	[smem:$0x3FD2] =	sst s25  }
0xa6: {  	s5 =	sshll.u32 s26, $0x1;
	_ =	strace $0x80000046;
	[dreg:$0x1] =	wrdreg $0xFFFFFFFF  }
0xa7: {  	s28 =	simm.s32 $_size_execute0_lowered;
	s3 =	sadd.s32 s3, s5;
	[dreg:$0x0] =	wrdreg $0x0  }
0xa8: {  	s5 =	sshll.u32 s28, $0x1;
	[dreg:$0x2] =	wrdreg s3  }
0xa9: {  	[dreg:$0x3] =	wrdreg s5  }
0xaa: {  	[dreg:$0x4] =	wrdreg $0xC0  }
0xab: {  	_ =	task [dreg:s7], $0x5FFFF  }
0xac: {  	[dreg:$0x1] =	wrdreg $0xFFFFFFFF  }
0xad: {  	[dreg:$0x0] =	wrdreg $0x60  }
0xae: {  	[dreg:$0x2] =	wrdreg s24  }
0xaf: {  	[dreg:$0x3] =	wrdreg s2  }
0xb0: {  	[dreg:$0x4] =	wrdreg $0x9  }
0xb1: {  	_ =	task.clear_ibuf [dreg:s7], $0x5FFFF;
	_ =	strace $0x90000046  }
0xb2: {  	s29 =	simm.s32 $0x9;
	_ =	strace $0x80000048  }
0xb3: {  	_ =	swait.ge [sflag:s29], $0x1  }
0xb4: {  	[sflag:s29] =	ssyncadd.s32 $0xFFFFFFFF  }
0xb5: {  	_ =	strace $0x90000048  }
0xb6: {  	_ =	sfence  }
0xb7: {  	s30 =	sld [smem:$0x0];
	_ =	sdelay $0x2  }
0xb8: {  	s31 =	sshll.u32 s1, $0xD;
	s1 =	sshrl.u32 s1, $0x2  }
0xb9: {  	s3 =	sand.u32 $0x4000, s31;
	s1 =	sadd.s32 s1, s30  }
0xba: {  	s0 =	sor.u32 s3, s0;
	s1 =	sshll.u32 s1, $0x11  }
0xbb: {  	s0 =	sor.u32 s1, s0  }
0xbc: {  	s0 =	sadd.s32 $0x8F2B, s0  }
0xbd: {  	[sflag:s0] =	ssyncadd.remote.s32 $0x1  }
0xbe: {  	_ =	sfence.sel $0xFFFF  }
0xbf: {  	[dreg:$0x0] =	wrdreg $0xFFFFFFFF;
	(pc) =	sbr.abs _section_cstart, $3  }
0xc0: {  	[dreg:$0x1] =	wrdreg $0xFFFFFFFF  }
0xc1: {  	_ =	task.clear_ibuf [dreg:s7], $0x2FFFF;
	_ =	strace $0x9FFFFFFF  }
0xc2: {  	(tm) =	ssettm $0x7FFFFFFF  }
0xc3: {  	_ =	shalt  }
tec
execute0_lowered:
.L_overlay_start_1:
0x0: {  	(tag) =	ssettag $0x1  }
0x1: {  	s5 =	rddreg [dreg:$0x0]  }
0x2: {  	s2 =	rddreg [dreg:$0x1]  }
0x3: {  	s0 =	rddreg [dreg:$0x2];
	s3 =	simm.s32 $0x0  }
0x4: {  	s4 =	srdreg.scid;
	s1 =	stileid.u32;
	s11 =	simm.s32 $0x2  }
0x5: {  	s12 =	simm.s32 $0x12C00;
	s13 =	simm.s32 $0x3;
	s14 =	simm.s32 $0x4  }
0x6: {  	s15 =	simm.s32 $0x0;
	s4 =	sand.u32 $0x1, s4;
	s6 =	sshll.u32 s1, $0x1  }
.Ltmp0:
0x7: {  	s7 =	ssub.s32 $0x2, s4;
	s4 =	sor.u32 s4, s6;
	(pc) =	sbr.rel .LBB2_1-.Ltmp0, $4  }
0x8: {  	[smem:$0x7FF] =	sst s3;
	s5 =	sadd.s32 $0x400, s5;
	s9 =	smul.u32 $0xC80, s4  }
0x9: {  	_ =	strace $0x80000047;
	s31 =	sshrl.u32 s7, $0x1;
	s8 =	ssub.s32 $0x13A7, s4  }
0xa: {  	s10 =	ssub.s32 s7, s31;
	s6 =	sshrl.u32 s8, $0x5;
	s7 =	sadd.s32 s5, s9  }
0xb: {  	s8 =	smax.u32 s10, $0x1;
	s9 =	simm.s32 $0x1;
	s10 =	simm.s32 $0xC800  }
.LBB2_11:
0xc: {  	s15 =	sadd.s32 $0x1, s15  }
0xd: {  	_ =	swait.ge [sflag:s13], $0x6400;
	p0 =	sne.s32 s15, s8  }
.Ltmp1:
0xe: {  	[sflag:s13] =	ssyncset.done $0x0;
	(pc) =	sbr.rel @!p0 .LBB2_12-.Ltmp1, $4  }
0xf: {  	[sflag:s13] =	ssyncadd.s32 $0xFFFF9C00  }
0x10: {  	_ =	swait.ge [sflag:s14], $0x6400  }
0x11: {  	[sflag:s14] =	ssyncset.done $0x0  }
0x12: {  	[sflag:s14] =	ssyncadd.s32 $0xFFFF9C00  }
.LBB2_1:
.Ltmp2:
0x13: {  	(pc) =	sbr.rel .LBB2_2-.Ltmp2, $3  }
0x14: {  	_ =	sdelay $0x1  }
0x15: {  	[tilespmem:s3], [sflag:$0x1] =	stream.linear.gather [hbm4b:s7+s3], $0x6400, $0x38;
	[tilespmem:$0x19000] =	vst v63  }
0x16: {  	s16 =	simm.s32 $0x0  }
.LBB2_10:
0x17: {  	s16 =	sadd.s32 $0x1, s16  }
0x18: {  	p0 =	sne.s32 s16, $0x4F  }
.Ltmp3:
0x19: {  	_ = 	snop;
	(pc) =	sbr.rel @!p0 .LBB2_11-.Ltmp3, $1  }
0x1a: {  	_ =	sdelay $0x3  }
.LBB2_2:
0x1b: {  	s18 =	sshll.u32 s16, $0x1  }
0x1c: {  	p0 =	slt.u32 s18, s6  }
.Ltmp4:
0x1d: {  	_ = 	snop;
	(pc) =	sbr.rel @!p0 .LBB2_6-.Ltmp4, $2  }
0x1e: {  	_ =	sdelay $0x2  }
0x1f: {  	s17 =	sor.u32 $0x1, s18  }
0x20: {  	s17 =	sor.u32 $0x1, s18  }
0x21: {  	p0 =	sge.u32 s17, s6  }
0x22: {  	s19 =	sshll.u32 @!p0 s17, $0x5  }
0x23: {  	_ =	swait.ge [sflag:s9], $0x6400;
	s19 =	sor.u32 @!p0 s4, s19  }
0x24: {  	[sflag:s9] =	ssyncset.done $0x0;
	s19 =	smul.u32 @!p0 $0xC80, s19  }
0x25: {  	[sflag:s9] =	ssyncadd.s32 $0xFFFF9C00  }
0x26: {  	s20 =	simm.s32 @!p0 $0x0;
	s21 =	simm.s32 @!p0 $0x6400;
	s19 =	sadd.s32 @!p0 s5, s19  }
0x27: {  	[tilespmem:s21], [sflag:$0x2] =	stream.linear.gather @!p0 [hbm4b:s19+s20], $0x6400, $0x38;
	[tilespmem:$0x19000] =	vst v63  }
0x28: {  	p0 =	seq.s32 s16, $0x0  }
0x29: {  	s19 =	simm.s32 @!p0 $0x3  }
0x2a: {  	_ =	swait.ge @!p0 [sflag:s19], $0x6400  }
0x2b: {  	[sflag:s19] =	ssyncset.done @!p0 $0x0  }
0x2c: {  	s31 =	simm.s32 $0x100;
	[sflag:s19] =	ssyncadd.s32 @!p0 $0xFFFF9C00  }
0x2d: {  	v0 =	vld [tilespmem:s31+$0xFFFFFF00];
	_ =	sdelay $0x4  }
0x2e: {  	v0 =	vmul.f32 $8.000000000e+00, v0  }
0x2f: {  	s19 =	simm.s32 $0xC900  }
0x30: {  	[tilespmem:s19+$0xFFFFFF00] =	vst v0  }
0x31: {  	v0 =	vld [tilespmem:s31+$0xFFFFFF10];
	_ =	sdelay $0x4  }
0x32: {  	v0 =	vmul.f32 $8.000000000e+00, v0;
	_ =	sdelay $0x1  }
0x33: {  	[tilespmem:s19+$0xFFFFFF10] =	vst v0  }
0x34: {  	v0 =	vld [tilespmem:s31+$0xFFFFFF20];
	_ =	sdelay $0x4  }
0x35: {  	v0 =	vmul.f32 $8.000000000e+00, v0;
	_ =	sdelay $0x1  }
0x36: {  	[tilespmem:s19+$0xFFFFFF20] =	vst v0  }
0x37: {  	v0 =	vld [tilespmem:s31+$0xFFFFFF30];
	_ =	sdelay $0x4  }
0x38: {  	v0 =	vmul.f32 $8.000000000e+00, v0;
	_ =	sdelay $0x1  }
0x39: {  	[tilespmem:s19+$0xFFFFFF30] =	vst v0  }
0x3a: {  	v0 =	vld [tilespmem:s31+$0xFFFFFF80];
	_ =	sdelay $0x4  }
0x3b: {  	v0 =	vmul.f32 $8.000000000e+00, v0;
	_ =	sdelay $0x1  }
0x3c: {  	[tilespmem:s19+$0xFFFFFF80] =	vst v0  }
0x3d: {  	v0 =	vld [tilespmem:s31+$0xFFFFFF90];
	_ =	sdelay $0x4  }
0x3e: {  	v0 =	vmul.f32 $8.000000000e+00, v0;
	_ =	sdelay $0x1  }
0x3f: {  	[tilespmem:s19+$0xFFFFFF90] =	vst v0  }
0x40: {  	v0 =	vld [tilespmem:s31+$0xFFFFFFA0];
	_ =	sdelay $0x4  }
0x41: {  	v0 =	vmul.f32 $8.000000000e+00, v0;
	_ =	sdelay $0x1  }
0x42: {  	[tilespmem:s19+$0xFFFFFFA0] =	vst v0  }
0x43: {  	v0 =	vld [tilespmem:s31+$0xFFFFFFB0];
	_ =	sdelay $0x4  }
0x44: {  	v0 =	vmul.f32 $8.000000000e+00, v0;
	_ =	sdelay $0x1  }
0x45: {  	[tilespmem:s19+$0xFFFFFFB0] =	vst v0  }
0x46: {  	v0 =	vld [tilespmem:s31+$0x0];
	_ =	sdelay $0x4  }
0x47: {  	v0 =	vmul.f32 $8.000000000e+00, v0;
	_ =	sdelay $0x1  }
0x48: {  	[tilespmem:s19+$0x0] =	vst v0  }
0x49: {  	v0 =	vld [tilespmem:s31+$0x10];
	_ =	sdelay $0x4  }
0x4a: {  	v0 =	vmul.f32 $8.000000000e+00, v0;
	_ =	sdelay $0x1  }
0x4b: {  	[tilespmem:s19+$0x10] =	vst v0  }
0x4c: {  	v0 =	vld [tilespmem:s31+$0x20];
	_ =	sdelay $0x4  }
0x4d: {  	v0 =	vmul.f32 $8.000000000e+00, v0;
	_ =	sdelay $0x1  }
0x4e: {  	[tilespmem:s19+$0x20] =	vst v0  }
0x4f: {  	v0 =	vld [tilespmem:s31+$0x30];
	_ =	sdelay $0x4  }
0x50: {  	v0 =	vmul.f32 $8.000000000e+00, v0;
	_ =	sdelay $0x1  }
0x51: {  	[tilespmem:s19+$0x30] =	vst v0  }
0x52: {  	v0 =	vld [tilespmem:s31+$0x80];
	_ =	sdelay $0x4  }
0x53: {  	v0 =	vmul.f32 $8.000000000e+00, v0;
	_ =	sdelay $0x1  }
0x54: {  	[tilespmem:s19+$0x80] =	vst v0  }
0x55: {  	v0 =	vld [tilespmem:s31+$0x90];
	_ =	sdelay $0x4  }
0x56: {  	v0 =	vmul.f32 $8.000000000e+00, v0;
	_ =	sdelay $0x1  }
0x57: {  	[tilespmem:s19+$0x90] =	vst v0  }
0x58: {  	v0 =	vld [tilespmem:s31+$0xA0];
	_ =	sdelay $0x4  }
0x59: {  	v0 =	vmul.f32 $8.000000000e+00, v0;
	_ =	sdelay $0x1  }
0x5a: {  	[tilespmem:s19+$0xA0] =	vst v0  }
0x5b: {  	v0 =	vld [tilespmem:s31+$0xB0];
	_ =	sdelay $0x4  }
0x5c: {  	v0 =	vmul.f32 $8.000000000e+00, v0;
	_ =	sdelay $0x1  }
0x5d: {  	s20 =	simm.s32 $0x0;
	s21 =	simm.s32 $0x300;
	[tilespmem:s19+$0xB0] =	vst v0  }
.LBB2_4:
0x5e: {  	v0 =	vld [tilespmem:s21+$0xFFFFFF00];
	s20 =	sadd.s32 $0x4, s20  }
0x5f: {  	p0 =	slt.u32 s20, $0xC4;
	_ =	sdelay $0x3  }
0x60: {  	v0 =	vmul.f32 $8.000000000e+00, v0  }
0x61: {  	s19 =	sadd.s32 $0x200, s19  }
0x62: {  	[tilespmem:s19+$0xFFFFFF00] =	vst v0  }
0x63: {  	v0 =	vld [tilespmem:s21+$0xFFFFFF10];
	_ =	sdelay $0x4  }
0x64: {  	v0 =	vmul.f32 $8.000000000e+00, v0;
	_ =	sdelay $0x1  }
0x65: {  	[tilespmem:s19+$0xFFFFFF10] =	vst v0  }
0x66: {  	v0 =	vld [tilespmem:s21+$0xFFFFFF20];
	_ =	sdelay $0x4  }
0x67: {  	v0 =	vmul.f32 $8.000000000e+00, v0;
	_ =	sdelay $0x1  }
0x68: {  	[tilespmem:s19+$0xFFFFFF20] =	vst v0  }
0x69: {  	v0 =	vld [tilespmem:s21+$0xFFFFFF30];
	_ =	sdelay $0x4  }
0x6a: {  	v0 =	vmul.f32 $8.000000000e+00, v0;
	_ =	sdelay $0x1  }
0x6b: {  	[tilespmem:s19+$0xFFFFFF30] =	vst v0  }
0x6c: {  	v0 =	vld [tilespmem:s21+$0xFFFFFF80];
	_ =	sdelay $0x4  }
0x6d: {  	v0 =	vmul.f32 $8.000000000e+00, v0;
	_ =	sdelay $0x1  }
0x6e: {  	[tilespmem:s19+$0xFFFFFF80] =	vst v0  }
0x6f: {  	v0 =	vld [tilespmem:s21+$0xFFFFFF90];
	_ =	sdelay $0x4  }
0x70: {  	v0 =	vmul.f32 $8.000000000e+00, v0;
	_ =	sdelay $0x1  }
0x71: {  	[tilespmem:s19+$0xFFFFFF90] =	vst v0  }
0x72: {  	v0 =	vld [tilespmem:s21+$0xFFFFFFA0];
	_ =	sdelay $0x4  }
0x73: {  	v0 =	vmul.f32 $8.000000000e+00, v0;
	_ =	sdelay $0x1  }
0x74: {  	[tilespmem:s19+$0xFFFFFFA0] =	vst v0  }
0x75: {  	v0 =	vld [tilespmem:s21+$0xFFFFFFB0];
	_ =	sdelay $0x4  }
0x76: {  	v0 =	vmul.f32 $8.000000000e+00, v0;
	_ =	sdelay $0x1  }
0x77: {  	[tilespmem:s19+$0xFFFFFFB0] =	vst v0  }
0x78: {  	v0 =	vld [tilespmem:s21+$0x0];
	_ =	sdelay $0x4  }
0x79: {  	v0 =	vmul.f32 $8.000000000e+00, v0;
	_ =	sdelay $0x1  }
0x7a: {  	[tilespmem:s19+$0x0] =	vst v0  }
0x7b: {  	v0 =	vld [tilespmem:s21+$0x10];
	_ =	sdelay $0x4  }
0x7c: {  	v0 =	vmul.f32 $8.000000000e+00, v0;
	_ =	sdelay $0x1  }
0x7d: {  	[tilespmem:s19+$0x10] =	vst v0  }
0x7e: {  	v0 =	vld [tilespmem:s21+$0x20];
	_ =	sdelay $0x4  }
0x7f: {  	v0 =	vmul.f32 $8.000000000e+00, v0;
	_ =	sdelay $0x1  }
0x80: {  	[tilespmem:s19+$0x20] =	vst v0  }
0x81: {  	v0 =	vld [tilespmem:s21+$0x30];
	_ =	sdelay $0x4  }
0x82: {  	v0 =	vmul.f32 $8.000000000e+00, v0;
	_ =	sdelay $0x1  }
0x83: {  	[tilespmem:s19+$0x30] =	vst v0  }
0x84: {  	v0 =	vld [tilespmem:s21+$0x80];
	_ =	sdelay $0x4  }
0x85: {  	v0 =	vmul.f32 $8.000000000e+00, v0;
	_ =	sdelay $0x1  }
0x86: {  	[tilespmem:s19+$0x80] =	vst v0  }
0x87: {  	v0 =	vld [tilespmem:s21+$0x90];
	_ =	sdelay $0x4  }
0x88: {  	v0 =	vmul.f32 $8.000000000e+00, v0;
	_ =	sdelay $0x1  }
0x89: {  	[tilespmem:s19+$0x90] =	vst v0  }
0x8a: {  	v0 =	vld [tilespmem:s21+$0xA0];
	_ =	sdelay $0x4  }
0x8b: {  	v0 =	vmul.f32 $8.000000000e+00, v0;
	_ =	sdelay $0x1  }
0x8c: {  	[tilespmem:s19+$0xA0] =	vst v0  }
0x8d: {  	v0 =	vld [tilespmem:s21+$0xB0];
	_ =	sdelay $0x2  }
.Ltmp5:
0x8e: {  	(pc) =	sbr.rel @p0 .LBB2_4-.Ltmp5, $3  }
0x8f: {  	_ = 	snop  }
0x90: {  	v0 =	vmul.f32 $8.000000000e+00, v0;
	_ =	sdelay $0x1  }
0x91: {  	s21 =	sadd.s32 $0x200, s21;
	[tilespmem:s19+$0xB0] =	vst v0  }
0x92: {  	s19 =	sshll.u32 s16, $0x6  }
0x93: {  	s19 =	sor.u32 s4, s19  }
0x94: {  	s19 =	smul.u32 $0xC80, s19;
	_ =	sdelay $0x1  }
0x95: {  	s19 =	sadd.s32 s2, s19  }
0x96: {  	[hbm4b:s19+s3] =	stream.linear.scatter [tilespmem:s10], [sflag:$0x3], $0x6400, $0x38;
	[tilespmem:$0x19000] =	vst v63  }
.LBB2_6:
0x97: {  	p0 =	sge.u32 s17, s6  }
.Ltmp6:
0x98: {  	_ = 	snop;
	(pc) =	sbr.rel @p0 .LBB2_10-.Ltmp6, $1  }
0x99: {  	_ =	sdelay $0x3  }
0x9a: {  	s18 =	sadd.s32 $0x2, s18  }
0x9b: {  	p0 =	sge.u32 s18, s6  }
0x9c: {  	s18 =	sshll.u32 @!p0 s18, $0x5  }
0x9d: {  	s18 =	sor.u32 @!p0 s4, s18  }
0x9e: {  	_ =	swait.ge [sflag:s11], $0x6400;
	s18 =	smul.u32 @!p0 $0xC80, s18  }
0x9f: {  	[sflag:s11] =	ssyncset.done $0x0  }
0xa0: {  	[sflag:s11] =	ssyncadd.s32 $0xFFFF9C00;
	s19 =	simm.s32 @!p0 $0x0;
	s18 =	sadd.s32 @!p0 s5, s18  }
0xa1: {  	[tilespmem:s19], [sflag:$0x1] =	stream.linear.gather @!p0 [hbm4b:s18+s19], $0x6400, $0x38;
	[tilespmem:$0x19000] =	vst v63  }
0xa2: {  	p0 =	seq.s32 s16, $0x0  }
0xa3: {  	s18 =	simm.s32 @!p0 $0x4  }
0xa4: {  	_ =	swait.ge @!p0 [sflag:s18], $0x6400  }
0xa5: {  	[sflag:s18] =	ssyncset.done @!p0 $0x0  }
0xa6: {  	[sflag:s18] =	ssyncadd.s32 @!p0 $0xFFFF9C00;
	s18 =	simm.s32 $0x0  }
0xa7: {  	v0 =	vld [tilespmem:s18+$0x65B0]  }
0xa8: {  	v1 =	vld [tilespmem:s18+$0x6400]  }
0xa9: {  	v2 =	vld [tilespmem:s18+$0x6410]  }
0xaa: {  	v3 =	vld [tilespmem:s18+$0x6420]  }
0xab: {  	v4 =	vld [tilespmem:s18+$0x6430]  }
0xac: {  	v5 =	vld [tilespmem:s18+$0x6480];
	v0 =	vmul.f32 $8.000000000e+00, v0  }
0xad: {  	v6 =	vld [tilespmem:s18+$0x6490];
	v1 =	vmul.f32 $8.000000000e+00, v1  }
0xae: {  	v7 =	vld [tilespmem:s18+$0x64A0];
	[tilespmem:s18+$0x12DB0] =	vst v0;
	v0 =	vmul.f32 $8.000000000e+00, v2  }
0xaf: {  	v8 =	vld [tilespmem:s18+$0x64B0];
	[tilespmem:s18+$0x12C00] =	vst v1;
	v1 =	vmul.f32 $8.000000000e+00, v3  }
0xb0: {  	v9 =	vld [tilespmem:s18+$0x6500];
	[tilespmem:s18+$0x12C10] =	vst v0;
	v0 =	vmul.f32 $8.000000000e+00, v4  }
0xb1: {  	v2 =	vld [tilespmem:s18+$0x6510];
	[tilespmem:s18+$0x12C20] =	vst v1;
	v1 =	vmul.f32 $8.000000000e+00, v5  }
0xb2: {  	v3 =	vmul.f32 $8.000000000e+00, v6;
	[tilespmem:s18+$0x12C30] =	vst v0;
	v0 =	vld [tilespmem:s18+$0x6520]  }
0xb3: {  	v4 =	vmul.f32 $8.000000000e+00, v7;
	[tilespmem:s18+$0x12C80] =	vst v1;
	v1 =	vld [tilespmem:s18+$0x6530]  }
0xb4: {  	v6 =	vmul.f32 $8.000000000e+00, v8;
	[tilespmem:s18+$0x12C90] =	vst v3;
	v3 =	vld [tilespmem:s18+$0x6580]  }
0xb5: {  	s20 =	simm.s32 $0x800;
	s19 =	simm.s32 $0x0;
	v5 =	vmul.f32 $8.000000000e+00, v9;
	[tilespmem:s18+$0x12CA0] =	vst v4;
	v4 =	vld [tilespmem:s18+$0x6590]  }
.LBB2_8:
0xb6: {  	s21 =	sshra.s32 s20, $0x2;
	s19 =	sadd.s32 $0x4, s19;
	[tilespmem:s18+$0x12CB0] =	vst v6;
	v2 =	vmul.f32 $8.000000000e+00, v2;
	v6 =	vld [tilespmem:s18+$0x65A0]  }
0xb7: {  	v7 =	vld [tilespmem:s21+$0x65B0];
	p0 =	slt.u32 s19, $0xC4;
	[tilespmem:s18+$0x12D00] =	vst v5;
	v0 =	vmul.f32 $8.000000000e+00, v0  }
0xb8: {  	v5 =	vld [tilespmem:s21+$0x6400];
	[tilespmem:s18+$0x12D10] =	vst v2;
	v1 =	vmul.f32 $8.000000000e+00, v1  }
0xb9: {  	v2 =	vld [tilespmem:s21+$0x6410];
	[tilespmem:s18+$0x12D20] =	vst v0;
	v0 =	vmul.f32 $8.000000000e+00, v3  }
0xba: {  	v3 =	vld [tilespmem:s21+$0x6420];
	[tilespmem:s18+$0x12D30] =	vst v1;
	v1 =	vmul.f32 $8.000000000e+00, v4  }
0xbb: {  	v4 =	vld [tilespmem:s21+$0x6430];
	[tilespmem:s18+$0x12D80] =	vst v0;
	v0 =	vmul.f32 $8.000000000e+00, v6  }
0xbc: {  	v6 =	vld [tilespmem:s21+$0x6480];
	v7 =	vmul.f32 $8.000000000e+00, v7;
	[tilespmem:s18+$0x12D90] =	vst v1  }
0xbd: {  	v1 =	vmul.f32 $8.000000000e+00, v5;
	v5 =	vld [tilespmem:s21+$0x6490];
	[tilespmem:s18+$0x12DA0] =	vst v0;
	s18 =	smov.u32 s21  }
0xbe: {  	v0 =	vmul.f32 $8.000000000e+00, v2;
	v8 =	vld [tilespmem:s18+$0x64A0];
	[tilespmem:s18+$0x12DB0] =	vst v7  }
0xbf: {  	[tilespmem:s18+$0x12C00] =	vst v1;
	v1 =	vmul.f32 $8.000000000e+00, v3;
	v3 =	vld [tilespmem:s18+$0x64B0]  }
0xc0: {  	[tilespmem:s18+$0x12C10] =	vst v0;
	v0 =	vmul.f32 $8.000000000e+00, v4;
	v4 =	vld [tilespmem:s18+$0x6500]  }
.Ltmp7:
0xc1: {  	[tilespmem:s18+$0x12C20] =	vst v1;
	v1 =	vmul.f32 $8.000000000e+00, v6;
	v2 =	vld [tilespmem:s18+$0x6510];
	(pc) =	sbr.rel @p0 .LBB2_8-.Ltmp7, $4  }
0xc2: {  	[tilespmem:s18+$0x12C30] =	vst v0;
	v5 =	vmul.f32 $8.000000000e+00, v5;
	v0 =	vld [tilespmem:s18+$0x6520]  }
0xc3: {  	[tilespmem:s18+$0x12C80] =	vst v1;
	v7 =	vmul.f32 $8.000000000e+00, v8;
	v1 =	vld [tilespmem:s18+$0x6530]  }
0xc4: {  	[tilespmem:s18+$0x12C90] =	vst v5;
	v6 =	vmul.f32 $8.000000000e+00, v3;
	v3 =	vld [tilespmem:s18+$0x6580]  }
0xc5: {  	s20 =	sadd.s32 $0x800, s20;
	[tilespmem:s18+$0x12CA0] =	vst v7;
	v5 =	vmul.f32 $8.000000000e+00, v4;
	v4 =	vld [tilespmem:s18+$0x6590]  }
0xc6: {  	[tilespmem:s18+$0x12CB0] =	vst v6;
	v2 =	vmul.f32 $8.000000000e+00, v2;
	v60 =	vld [tilespmem:s18+$0x65A0]  }
0xc7: {  	[tilespmem:s18+$0x12D00] =	vst v5;
	v0 =	vmul.f32 $8.000000000e+00, v0  }
0xc8: {  	[tilespmem:s18+$0x12D10] =	vst v2;
	v1 =	vmul.f32 $8.000000000e+00, v1  }
0xc9: {  	s17 =	sshll.u32 s17, $0x5;
	[tilespmem:s18+$0x12D20] =	vst v0;
	v61 =	vmul.f32 $8.000000000e+00, v3  }
.Ltmp8:
0xca: {  	s17 =	sor.u32 s4, s17;
	[tilespmem:s18+$0x12D30] =	vst v1;
	v62 =	vmul.f32 $8.000000000e+00, v4;
	(pc) =	sbr.rel .LBB2_10-.Ltmp8, $4  }
0xcb: {  	s17 =	smul.u32 $0xC80, s17;
	[tilespmem:s18+$0x12D80] =	vst v61;
	v63 =	vmul.f32 $8.000000000e+00, v60  }
0xcc: {  	[tilespmem:s18+$0x12D90] =	vst v62  }
0xcd: {  	s17 =	sadd.s32 s2, s17;
	[tilespmem:s18+$0x12DA0] =	vst v63  }
0xce: {  	[hbm4b:s17+s3] =	stream.linear.scatter [tilespmem:s12], [sflag:$0x4], $0x6400, $0x38;
	[tilespmem:$0x19000] =	vst v63  }
.LBB2_12:
0xcf: {  	_ =	sfence.sel $0x180000  }
0xd0: {  	[bflag:$0x0] =	sbarrier.arrive $0xFFFF  }
0xd1: {  	p0 =	sne.s32 s1, $0x0;
	_ =	strace $0x90000047  }
0xd2: {  	s0 =	sadd.s32 @!p0 $0x100000, s0;
	[bflag:$0x2] =	sbarrier.arrive $0xFFFF  }
0xd3: {  	[sflag:s0] =	ssyncadd.tile.s32 @!p0 $0x1;
	_ =	shalt  }
.Lfunc_end2:
_tile_overlayer_lowered:
.L_overlay_start_2:
0xd4: {  	(tag) =	ssettag $0x2  }
0xd5: {  	s0 =	rddreg [dreg:$0x0];
	s2 =	stileid.u32  }
0xd6: {  	s1 =	rddreg [dreg:$0x1];
	p0 =	sne.s32 s2, $0x0  }
0xd7: {  	s3 =	rddreg [dreg:$0x2];
	[bflag:$0x3] =	sbarrier.arrive $0xFFFF;
	s2 =	simm.s32 @!p0 $0x1C05  }
0xd8: {  	[timem:s3], [sflag:s2] =	dma.local @!p0 [hbm:s0], s1  }
0xd9: {  	s0 =	simm.s32 @!p0 $0x5  }
0xda: {  	_ =	swait.ge @!p0 [sflag:s0], s1  }
0xdb: {  	s1 =	ssub.s32 @!p0 $0x0, s1;
	[sflag:s0] =	ssyncset.done @!p0 $0x0  }
0xdc: {  	[sflag:s0] =	ssyncadd.s32 @!p0 s1  }
0xdd: {  	[bflag:$0x3] =	sbarrier.arrive $0xFFFF  }
0xde: {  	_ =	shalt  }

</sc_bundles>
